<compile_context>
chip_gen: v7x
topology: tpu7x:2x2x1
jax: 0.10.2.dev20260603
libtpu: 0.0.44.dev20260713+nightly
codegen_flags: <defaults>
</compile_context>

<pallas_src>
import functools

import jax
import jax.numpy as jnp
from jax import lax
from jax.experimental import pallas as pl
from jax.experimental.pallas import tpu as pltpu
from jax.experimental.pallas import tpu_sc as plsc

B, S, H = 4, 2048, 768
HW = H // 2
EPS = 1e-12
NC, NS = 2, 16
NW = NC * NS
RPW = B * S // NW
GC = 32
NCH = RPW // GC
BR = 2048


def _sc_gather_body(ids_hbm, word_hbm, out_hbm, idx_v, *bufs_and_sems):
    bufs = bufs_and_sems[:NCH]
    gsems = bufs_and_sems[NCH:2 * NCH]
    wsems = bufs_and_sems[2 * NCH:3 * NCH]
    wid = lax.axis_index("s") * NC + lax.axis_index("c")
    base = wid * RPW
    pltpu.sync_copy(ids_hbm.at[pl.ds(base, RPW)], idx_v)

    g = [
        pltpu.async_copy(
            word_hbm.at[idx_v.at[pl.ds(c * GC, GC)]], bufs[c], gsems[c])
        for c in range(NCH)
    ]
    w = []
    for c in range(NCH):
        g[c].wait()
        w.append(pltpu.async_copy(
            bufs[c], out_hbm.at[pl.ds(base + c * GC, GC)], wsems[c]))
    for h in w:
        h.wait()


def _tc_ln_body(g_ref, pos_ref, tok_ref, gamma_ref, beta_ref, o_ref):
    w = g_ref[...]
    lo = lax.bitcast_convert_type(w << 16, jnp.float32)
    hi = lax.bitcast_convert_type(w & jnp.int32(-65536), jnp.float32)
    ylo = lo + pos_ref[:, :HW] + tok_ref[0:1, :HW]
    yhi = hi + pos_ref[:, HW:] + tok_ref[0:1, HW:]
    s1 = jnp.sum(ylo, axis=-1, keepdims=True) \
        + jnp.sum(yhi, axis=-1, keepdims=True)
    mean = s1 * (1.0 / H)
    clo = ylo - mean
    chi = yhi - mean
    s2 = jnp.sum(clo * clo, axis=-1, keepdims=True) \
        + jnp.sum(chi * chi, axis=-1, keepdims=True)
    inv = lax.rsqrt(s2 * (1.0 / H) + EPS)
    o_ref[:, :HW] = clo * inv * gamma_ref[0:1, :HW] + beta_ref[0:1, :HW]
    o_ref[:, HW:] = chi * inv * gamma_ref[0:1, HW:] + beta_ref[0:1, HW:]


@jax.jit
def _embed_ln(ids_flat, word_table, pos_table, tok_table, ln_gamma, ln_beta):
    def pack_bf16_pairs(x):
        xu = lax.bitcast_convert_type(x, jnp.uint32)
        lo, hi = xu[:, :HW], xu[:, HW:]
        rlo = (lo + jnp.uint32(0x7FFF) + ((lo >> 16) & jnp.uint32(1))) >> 16
        rhi = (hi + jnp.uint32(0x7FFF) + ((hi >> 16) & jnp.uint32(1))) \
            & jnp.uint32(0xFFFF0000)
        return lax.bitcast_convert_type(rlo | rhi, jnp.int32)

    word_i32 = pack_bf16_pairs(word_table)

    mesh = plsc.VectorSubcoreMesh(core_axis_name="c", subcore_axis_name="s")
    gathered = pl.kernel(
        _sc_gather_body,
        out_type=jax.ShapeDtypeStruct((B * S, HW), jnp.int32),
        mesh=mesh,
        scratch_types=(
            [pltpu.VMEM((RPW,), jnp.int32)]
            + [pltpu.VMEM((GC, HW), jnp.int32)] * NCH
            + [pltpu.SemaphoreType.DMA] * (2 * NCH)
        ),
    )(ids_flat, word_i32)

    sblk = max(S // BR, 1)
    out = pl.pallas_call(
        _tc_ln_body,
        grid=(sblk, B),
        in_specs=[
            pl.BlockSpec((BR, HW), lambda p, b: (b * sblk + p, 0)),
            pl.BlockSpec((BR, H), lambda p, b: (p, 0)),
            pl.BlockSpec((2, H), lambda p, b: (0, 0)),
            pl.BlockSpec((1, H), lambda p, b: (0, 0)),
            pl.BlockSpec((1, H), lambda p, b: (0, 0)),
        ],
        out_specs=pl.BlockSpec((BR, H), lambda p, b: (b * sblk + p, 0)),
        out_shape=jax.ShapeDtypeStruct((B * S, H), jnp.float32),
    )(gathered, pos_table, tok_table, ln_gamma[None, :], ln_beta[None, :])
    return out


def kernel(input_ids, word_table, pos_table, tok_table, ln_gamma, ln_beta):
    ids_flat = input_ids.reshape(-1)
    out = _embed_ln(ids_flat, word_table, pos_table, tok_table,
                    ln_gamma, ln_beta)
    return out.reshape(B, S, H)

# --- scband reference (transcript-rebuilt; emitter-appended) ---
"""Pipeline reference for scband-ernie-rna-embeddings-23794118820258 (READ-ONLY COPY).

The authoritative reference and input builder live on the scoring server;
editing this copy changes nothing except your own understanding.
"""

import jax, jax.numpy as jnp
import numpy as np

VOCAB = 1000
HIDDEN = 768
MAX_POS = 4096
TYPE_VOCAB = 2
EPS = 1e-12
B, S = 4, 2048


def setup_inputs(seed: int = 0) -> dict:
    key = jax.random.key(seed)
    k0, k1, k2, k3 = jax.random.split(key, 4)
    input_ids = jax.random.randint(k0, (B, S), 0, VOCAB, dtype=jnp.int64 if jax.config.read('jax_enable_x64') else jnp.int32).astype(jnp.int32)
    word_table = jax.random.normal(k1, (VOCAB, HIDDEN), dtype=jnp.float32) * 0.02
    # padding_idx=0 row zeroed like nn.Embedding(padding_idx=0)
    word_table = word_table.at[0].set(0.0)
    pos_table = jax.random.normal(k2, (MAX_POS, HIDDEN), dtype=jnp.float32) * 0.02
    tok_table = jax.random.normal(k3, (TYPE_VOCAB, HIDDEN), dtype=jnp.float32) * 0.02
    ln_gamma = jnp.ones((HIDDEN,), dtype=jnp.float32)
    ln_beta = jnp.zeros((HIDDEN,), dtype=jnp.float32)
    return {
        'input_ids': input_ids,
        'word_table': word_table,
        'pos_table': pos_table,
        'tok_table': tok_table,
        'ln_gamma': ln_gamma,
        'ln_beta': ln_beta,
    }


def _layer_norm(x, gamma, beta):
    mean = jnp.mean(x, axis=-1, keepdims=True)
    var = jnp.mean(jnp.square(x - mean), axis=-1, keepdims=True)
    return (x - mean) / jnp.sqrt(var + EPS) * gamma + beta


def reference(input_ids, word_table, pos_table, tok_table, ln_gamma, ln_beta):
    seq_len = input_ids.shape[1]
    # word embeddings: gather
    inputs_embeds = jnp.take(word_table, input_ids, axis=0)  # [B, S, H]
    # token_type ids are all zeros -> gather row 0
    token_type_ids = jnp.zeros(input_ids.shape, dtype=jnp.int32)
    token_type_embeddings = jnp.take(tok_table, token_type_ids, axis=0)  # [B, S, H]
    embeddings = inputs_embeds + token_type_embeddings
    # absolute position embeddings: gather rows [0, seq_len)
    position_ids = jnp.arange(seq_len, dtype=jnp.int32)[None, :]  # [1, S]
    position_embeddings = jnp.take(pos_table, position_ids, axis=0)  # [1, S, H]
    embeddings = embeddings + position_embeddings
    embeddings = _layer_norm(embeddings, ln_gamma, ln_beta)
    # dropout is identity in eval mode
    return embeddings

if __name__ == "__main__":
    import jax
    _d = setup_inputs()
    print(jax.jit(kernel)(*tuple(_d.values())))

</pallas_src>

<mosaic_0001>
#map = affine_map<(d0, d1) -> (0)>
#map1 = affine_map<(d0, d1) -> (0, 0)>
module attributes {stable_mosaic.version = 14 : i64} {
  func.func @_sc_gather_body(%arg0: i32, %arg1: i32, %arg2: memref<8192xi32, #tpu.memory_space<hbm>>, %arg3: memref<1000x384xi32, #tpu.memory_space<hbm>>, %arg4: memref<8192x384xi32, #tpu.memory_space<hbm>>, %arg5: memref<256xi32, #tpu.memory_space<vmem>>, %arg6: memref<32x384xi32, #tpu.memory_space<vmem>>, %arg7: memref<32x384xi32, #tpu.memory_space<vmem>>, %arg8: memref<32x384xi32, #tpu.memory_space<vmem>>, %arg9: memref<32x384xi32, #tpu.memory_space<vmem>>, %arg10: memref<32x384xi32, #tpu.memory_space<vmem>>, %arg11: memref<32x384xi32, #tpu.memory_space<vmem>>, %arg12: memref<32x384xi32, #tpu.memory_space<vmem>>, %arg13: memref<32x384xi32, #tpu.memory_space<vmem>>, %arg14: memref<!tpu.dma_semaphore, #tpu.memory_space<semaphore_mem>>, %arg15: memref<!tpu.dma_semaphore, #tpu.memory_space<semaphore_mem>>, %arg16: memref<!tpu.dma_semaphore, #tpu.memory_space<semaphore_mem>>, %arg17: memref<!tpu.dma_semaphore, #tpu.memory_space<semaphore_mem>>, %arg18: memref<!tpu.dma_semaphore, #tpu.memory_space<semaphore_mem>>, %arg19: memref<!tpu.dma_semaphore, #tpu.memory_space<semaphore_mem>>, %arg20: memref<!tpu.dma_semaphore, #tpu.memory_space<semaphore_mem>>, %arg21: memref<!tpu.dma_semaphore, #tpu.memory_space<semaphore_mem>>, %arg22: memref<!tpu.dma_semaphore, #tpu.memory_space<semaphore_mem>>, %arg23: memref<!tpu.dma_semaphore, #tpu.memory_space<semaphore_mem>>, %arg24: memref<!tpu.dma_semaphore, #tpu.memory_space<semaphore_mem>>, %arg25: memref<!tpu.dma_semaphore, #tpu.memory_space<semaphore_mem>>, %arg26: memref<!tpu.dma_semaphore, #tpu.memory_space<semaphore_mem>>, %arg27: memref<!tpu.dma_semaphore, #tpu.memory_space<semaphore_mem>>, %arg28: memref<!tpu.dma_semaphore, #tpu.memory_space<semaphore_mem>>, %arg29: memref<!tpu.dma_semaphore, #tpu.memory_space<semaphore_mem>>) attributes {dimension_semantics = [#tpu.dimension_semantics<core_parallel>, #tpu.dimension_semantics<subcore_parallel>], iteration_bounds = array<i64: 2, 16>, scalar_prefetch = 0 : i64, scratch_operands = 25 : i64, tpu.core_type = #tpu.core_type<sc_vector_subcore>, window_params = [{transform_indices = #map}, {transform_indices = #map1}, {transform_indices = #map1}]} {
    %mul3A = arith.constant 2 : i32
    %mul3A_0 = arith.muli %arg1, %mul3A : i32
    %add3A = arith.addi %mul3A_0, %arg0 : i32
    %mul3A_1 = arith.constant 256 : i32
    %mul3A_2 = arith.muli %add3A, %mul3A_1 : i32
    "tpu.region"() ({
      %run_scoped3A = tpu.sem_alloc : memref<!tpu.dma_semaphore, #tpu.memory_space<semaphore_mem>>
      %dma_start3A_161 = tpu.memref_slice %arg2[%mul3A_2] : memref<8192xi32, #tpu.memory_space<hbm>> -> memref<256xi32, #tpu.memory_space<hbm>>
      %dma_start3A_162 = tpu.memref_slice %arg2[%mul3A_2] : memref<8192xi32, #tpu.memory_space<hbm>> -> memref<256xi32, #tpu.memory_space<hbm>>
      tpu.enqueue_dma source(%dma_start3A_162 : memref<256xi32, #tpu.memory_space<hbm>>) target(%arg5 : memref<256xi32, #tpu.memory_space<vmem>>) target_semaphore(%run_scoped3A : memref<!tpu.dma_semaphore, #tpu.memory_space<semaphore_mem>>)
      %dma_wait3A_163 = tpu.memref_slice %arg2[%mul3A_2] : memref<8192xi32, #tpu.memory_space<hbm>> -> memref<256xi32, #tpu.memory_space<hbm>>
      %dma_wait3A_164 = tpu.memref_slice %arg2[%mul3A_2] : memref<8192xi32, #tpu.memory_space<hbm>> -> memref<256xi32, #tpu.memory_space<hbm>>
      tpu.wait_dma2 semaphore(%run_scoped3A : memref<!tpu.dma_semaphore, #tpu.memory_space<semaphore_mem>>) src(%dma_wait3A_164 : memref<256xi32, #tpu.memory_space<hbm>>) dst(%arg5 : memref<256xi32, #tpu.memory_space<vmem>>)
      tpu.yield
    }) : () -> ()
    %dma_start3A = arith.constant 0 : i32
    %dma_start3A_3 = tpu.memref_slice %arg5[%dma_start3A] : memref<256xi32, #tpu.memory_space<vmem>> -> memref<32xi32, #tpu.memory_space<vmem>>
    %dma_start3A_4 = arith.constant 0 : i32
    %dma_start3A_5 = arith.constant 0 : i32
    %dma_start3A_6 = tpu.memref_slice %arg3[%dma_start3A_4, %dma_start3A_5] : memref<1000x384xi32, #tpu.memory_space<hbm>> -> memref<1000x384xi32, #tpu.memory_space<hbm>>
    tpu.enqueue_indirect_dma source(%dma_start3A_6 : memref<1000x384xi32, #tpu.memory_space<hbm>>) target(%arg6 : memref<32x384xi32, #tpu.memory_space<vmem>>) offsets(%dma_start3A_3 : memref<32xi32, #tpu.memory_space<vmem>>) semaphore(%arg14 : memref<!tpu.dma_semaphore, #tpu.memory_space<semaphore_mem>>)
    %dma_start3A_7 = arith.constant 32 : i32
    %dma_start3A_8 = tpu.memref_slice %arg5[%dma_start3A_7] : memref<256xi32, #tpu.memory_space<vmem>> -> memref<32xi32, #tpu.memory_space<vmem>>
    %dma_start3A_9 = arith.constant 0 : i32
    %dma_start3A_10 = arith.constant 0 : i32
    %dma_start3A_11 = tpu.memref_slice %arg3[%dma_start3A_9, %dma_start3A_10] : memref<1000x384xi32, #tpu.memory_space<hbm>> -> memref<1000x384xi32, #tpu.memory_space<hbm>>
    tpu.enqueue_indirect_dma source(%dma_start3A_11 : memref<1000x384xi32, #tpu.memory_space<hbm>>) target(%arg7 : memref<32x384xi32, #tpu.memory_space<vmem>>) offsets(%dma_start3A_8 : memref<32xi32, #tpu.memory_space<vmem>>) semaphore(%arg15 : memref<!tpu.dma_semaphore, #tpu.memory_space<semaphore_mem>>)
    %dma_start3A_12 = arith.constant 64 : i32
    %dma_start3A_13 = tpu.memref_slice %arg5[%dma_start3A_12] : memref<256xi32, #tpu.memory_space<vmem>> -> memref<32xi32, #tpu.memory_space<vmem>>
    %dma_start3A_14 = arith.constant 0 : i32
    %dma_start3A_15 = arith.constant 0 : i32
    %dma_start3A_16 = tpu.memref_slice %arg3[%dma_start3A_14, %dma_start3A_15] : memref<1000x384xi32, #tpu.memory_space<hbm>> -> memref<1000x384xi32, #tpu.memory_space<hbm>>
    tpu.enqueue_indirect_dma source(%dma_start3A_16 : memref<1000x384xi32, #tpu.memory_space<hbm>>) target(%arg8 : memref<32x384xi32, #tpu.memory_space<vmem>>) offsets(%dma_start3A_13 : memref<32xi32, #tpu.memory_space<vmem>>) semaphore(%arg16 : memref<!tpu.dma_semaphore, #tpu.memory_space<semaphore_mem>>)
    %dma_start3A_17 = arith.constant 96 : i32
    %dma_start3A_18 = tpu.memref_slice %arg5[%dma_start3A_17] : memref<256xi32, #tpu.memory_space<vmem>> -> memref<32xi32, #tpu.memory_space<vmem>>
    %dma_start3A_19 = arith.constant 0 : i32
    %dma_start3A_20 = arith.constant 0 : i32
    %dma_start3A_21 = tpu.memref_slice %arg3[%dma_start3A_19, %dma_start3A_20] : memref<1000x384xi32, #tpu.memory_space<hbm>> -> memref<1000x384xi32, #tpu.memory_space<hbm>>
    tpu.enqueue_indirect_dma source(%dma_start3A_21 : memref<1000x384xi32, #tpu.memory_space<hbm>>) target(%arg9 : memref<32x384xi32, #tpu.memory_space<vmem>>) offsets(%dma_start3A_18 : memref<32xi32, #tpu.memory_space<vmem>>) semaphore(%arg17 : memref<!tpu.dma_semaphore, #tpu.memory_space<semaphore_mem>>)
    %dma_start3A_22 = arith.constant 128 : i32
    %dma_start3A_23 = tpu.memref_slice %arg5[%dma_start3A_22] : memref<256xi32, #tpu.memory_space<vmem>> -> memref<32xi32, #tpu.memory_space<vmem>>
    %dma_start3A_24 = arith.constant 0 : i32
    %dma_start3A_25 = arith.constant 0 : i32
    %dma_start3A_26 = tpu.memref_slice %arg3[%dma_start3A_24, %dma_start3A_25] : memref<1000x384xi32, #tpu.memory_space<hbm>> -> memref<1000x384xi32, #tpu.memory_space<hbm>>
    tpu.enqueue_indirect_dma source(%dma_start3A_26 : memref<1000x384xi32, #tpu.memory_space<hbm>>) target(%arg10 : memref<32x384xi32, #tpu.memory_space<vmem>>) offsets(%dma_start3A_23 : memref<32xi32, #tpu.memory_space<vmem>>) semaphore(%arg18 : memref<!tpu.dma_semaphore, #tpu.memory_space<semaphore_mem>>)
    %dma_start3A_27 = arith.constant 160 : i32
    %dma_start3A_28 = tpu.memref_slice %arg5[%dma_start3A_27] : memref<256xi32, #tpu.memory_space<vmem>> -> memref<32xi32, #tpu.memory_space<vmem>>
    %dma_start3A_29 = arith.constant 0 : i32
    %dma_start3A_30 = arith.constant 0 : i32
    %dma_start3A_31 = tpu.memref_slice %arg3[%dma_start3A_29, %dma_start3A_30] : memref<1000x384xi32, #tpu.memory_space<hbm>> -> memref<1000x384xi32, #tpu.memory_space<hbm>>
    tpu.enqueue_indirect_dma source(%dma_start3A_31 : memref<1000x384xi32, #tpu.memory_space<hbm>>) target(%arg11 : memref<32x384xi32, #tpu.memory_space<vmem>>) offsets(%dma_start3A_28 : memref<32xi32, #tpu.memory_space<vmem>>) semaphore(%arg19 : memref<!tpu.dma_semaphore, #tpu.memory_space<semaphore_mem>>)
    %dma_start3A_32 = arith.constant 192 : i32
    %dma_start3A_33 = tpu.memref_slice %arg5[%dma_start3A_32] : memref<256xi32, #tpu.memory_space<vmem>> -> memref<32xi32, #tpu.memory_space<vmem>>
    %dma_start3A_34 = arith.constant 0 : i32
    %dma_start3A_35 = arith.constant 0 : i32
    %dma_start3A_36 = tpu.memref_slice %arg3[%dma_start3A_34, %dma_start3A_35] : memref<1000x384xi32, #tpu.memory_space<hbm>> -> memref<1000x384xi32, #tpu.memory_space<hbm>>
    tpu.enqueue_indirect_dma source(%dma_start3A_36 : memref<1000x384xi32, #tpu.memory_space<hbm>>) target(%arg12 : memref<32x384xi32, #tpu.memory_space<vmem>>) offsets(%dma_start3A_33 : memref<32xi32, #tpu.memory_space<vmem>>) semaphore(%arg20 : memref<!tpu.dma_semaphore, #tpu.memory_space<semaphore_mem>>)
    %dma_start3A_37 = arith.constant 224 : i32
    %dma_start3A_38 = tpu.memref_slice %arg5[%dma_start3A_37] : memref<256xi32, #tpu.memory_space<vmem>> -> memref<32xi32, #tpu.memory_space<vmem>>
    %dma_start3A_39 = arith.constant 0 : i32
    %dma_start3A_40 = arith.constant 0 : i32
    %dma_start3A_41 = tpu.memref_slice %arg3[%dma_start3A_39, %dma_start3A_40] : memref<1000x384xi32, #tpu.memory_space<hbm>> -> memref<1000x384xi32, #tpu.memory_space<hbm>>
    tpu.enqueue_indirect_dma source(%dma_start3A_41 : memref<1000x384xi32, #tpu.memory_space<hbm>>) target(%arg13 : memref<32x384xi32, #tpu.memory_space<vmem>>) offsets(%dma_start3A_38 : memref<32xi32, #tpu.memory_space<vmem>>) semaphore(%arg21 : memref<!tpu.dma_semaphore, #tpu.memory_space<semaphore_mem>>)
    %dma_wait3A = arith.constant 0 : i32
    %dma_wait3A_42 = tpu.memref_slice %arg5[%dma_wait3A] : memref<256xi32, #tpu.memory_space<vmem>> -> memref<32xi32, #tpu.memory_space<vmem>>
    %dma_wait3A_43 = arith.constant 0 : i32
    %dma_wait3A_44 = arith.constant 0 : i32
    %dma_wait3A_45 = tpu.memref_slice %arg3[%dma_wait3A_43, %dma_wait3A_44] : memref<1000x384xi32, #tpu.memory_space<hbm>> -> memref<1000x384xi32, #tpu.memory_space<hbm>>
    tpu.wait_indirect_dma semaphore(%arg14 : memref<!tpu.dma_semaphore, #tpu.memory_space<semaphore_mem>>) src(%dma_wait3A_45 : memref<1000x384xi32, #tpu.memory_space<hbm>>) dst(%arg6 : memref<32x384xi32, #tpu.memory_space<vmem>>)
    %add3A_46 = arith.constant 0 : i32
    %add3A_47 = arith.addi %mul3A_2, %add3A_46 : i32
    %dma_start3A_48 = arith.constant 0 : i32
    %dma_start3A_49 = tpu.memref_slice %arg4[%add3A_47, %dma_start3A_48] : memref<8192x384xi32, #tpu.memory_space<hbm>> -> memref<32x384xi32, #tpu.memory_space<hbm>>
    %dma_start3A_50 = arith.constant 0 : i32
    %dma_start3A_51 = tpu.memref_slice %arg4[%add3A_47, %dma_start3A_50] : memref<8192x384xi32, #tpu.memory_space<hbm>> -> memref<32x384xi32, #tpu.memory_space<hbm>>
    tpu.enqueue_dma source(%arg6 : memref<32x384xi32, #tpu.memory_space<vmem>>) target(%dma_start3A_51 : memref<32x384xi32, #tpu.memory_space<hbm>>) target_semaphore(%arg22 : memref<!tpu.dma_semaphore, #tpu.memory_space<semaphore_mem>>)
    %dma_wait3A_52 = arith.constant 32 : i32
    %dma_wait3A_53 = tpu.memref_slice %arg5[%dma_wait3A_52] : memref<256xi32, #tpu.memory_space<vmem>> -> memref<32xi32, #tpu.memory_space<vmem>>
    %dma_wait3A_54 = arith.constant 0 : i32
    %dma_wait3A_55 = arith.constant 0 : i32
    %dma_wait3A_56 = tpu.memref_slice %arg3[%dma_wait3A_54, %dma_wait3A_55] : memref<1000x384xi32, #tpu.memory_space<hbm>> -> memref<1000x384xi32, #tpu.memory_space<hbm>>
    tpu.wait_indirect_dma semaphore(%arg15 : memref<!tpu.dma_semaphore, #tpu.memory_space<semaphore_mem>>) src(%dma_wait3A_56 : memref<1000x384xi32, #tpu.memory_space<hbm>>) dst(%arg7 : memref<32x384xi32, #tpu.memory_space<vmem>>)
    %add3A_57 = arith.constant 32 : i32
    %add3A_58 = arith.addi %mul3A_2, %add3A_57 : i32
    %dma_start3A_59 = arith.constant 0 : i32
    %dma_start3A_60 = tpu.memref_slice %arg4[%add3A_58, %dma_start3A_59] : memref<8192x384xi32, #tpu.memory_space<hbm>> -> memref<32x384xi32, #tpu.memory_space<hbm>>
    %dma_start3A_61 = arith.constant 0 : i32
    %dma_start3A_62 = tpu.memref_slice %arg4[%add3A_58, %dma_start3A_61] : memref<8192x384xi32, #tpu.memory_space<hbm>> -> memref<32x384xi32, #tpu.memory_space<hbm>>
    tpu.enqueue_dma source(%arg7 : memref<32x384xi32, #tpu.memory_space<vmem>>) target(%dma_start3A_62 : memref<32x384xi32, #tpu.memory_space<hbm>>) target_semaphore(%arg23 : memref<!tpu.dma_semaphore, #tpu.memory_space<semaphore_mem>>)
    %dma_wait3A_63 = arith.constant 64 : i32
    %dma_wait3A_64 = tpu.memref_slice %arg5[%dma_wait3A_63] : memref<256xi32, #tpu.memory_space<vmem>> -> memref<32xi32, #tpu.memory_space<vmem>>
    %dma_wait3A_65 = arith.constant 0 : i32
    %dma_wait3A_66 = arith.constant 0 : i32
    %dma_wait3A_67 = tpu.memref_slice %arg3[%dma_wait3A_65, %dma_wait3A_66] : memref<1000x384xi32, #tpu.memory_space<hbm>> -> memref<1000x384xi32, #tpu.memory_space<hbm>>
    tpu.wait_indirect_dma semaphore(%arg16 : memref<!tpu.dma_semaphore, #tpu.memory_space<semaphore_mem>>) src(%dma_wait3A_67 : memref<1000x384xi32, #tpu.memory_space<hbm>>) dst(%arg8 : memref<32x384xi32, #tpu.memory_space<vmem>>)
    %add3A_68 = arith.constant 64 : i32
    %add3A_69 = arith.addi %mul3A_2, %add3A_68 : i32
    %dma_start3A_70 = arith.constant 0 : i32
    %dma_start3A_71 = tpu.memref_slice %arg4[%add3A_69, %dma_start3A_70] : memref<8192x384xi32, #tpu.memory_space<hbm>> -> memref<32x384xi32, #tpu.memory_space<hbm>>
    %dma_start3A_72 = arith.constant 0 : i32
    %dma_start3A_73 = tpu.memref_slice %arg4[%add3A_69, %dma_start3A_72] : memref<8192x384xi32, #tpu.memory_space<hbm>> -> memref<32x384xi32, #tpu.memory_space<hbm>>
    tpu.enqueue_dma source(%arg8 : memref<32x384xi32, #tpu.memory_space<vmem>>) target(%dma_start3A_73 : memref<32x384xi32, #tpu.memory_space<hbm>>) target_semaphore(%arg24 : memref<!tpu.dma_semaphore, #tpu.memory_space<semaphore_mem>>)
    %dma_wait3A_74 = arith.constant 96 : i32
    %dma_wait3A_75 = tpu.memref_slice %arg5[%dma_wait3A_74] : memref<256xi32, #tpu.memory_space<vmem>> -> memref<32xi32, #tpu.memory_space<vmem>>
    %dma_wait3A_76 = arith.constant 0 : i32
    %dma_wait3A_77 = arith.constant 0 : i32
    %dma_wait3A_78 = tpu.memref_slice %arg3[%dma_wait3A_76, %dma_wait3A_77] : memref<1000x384xi32, #tpu.memory_space<hbm>> -> memref<1000x384xi32, #tpu.memory_space<hbm>>
    tpu.wait_indirect_dma semaphore(%arg17 : memref<!tpu.dma_semaphore, #tpu.memory_space<semaphore_mem>>) src(%dma_wait3A_78 : memref<1000x384xi32, #tpu.memory_space<hbm>>) dst(%arg9 : memref<32x384xi32, #tpu.memory_space<vmem>>)
    %add3A_79 = arith.constant 96 : i32
    %add3A_80 = arith.addi %mul3A_2, %add3A_79 : i32
    %dma_start3A_81 = arith.constant 0 : i32
    %dma_start3A_82 = tpu.memref_slice %arg4[%add3A_80, %dma_start3A_81] : memref<8192x384xi32, #tpu.memory_space<hbm>> -> memref<32x384xi32, #tpu.memory_space<hbm>>
    %dma_start3A_83 = arith.constant 0 : i32
    %dma_start3A_84 = tpu.memref_slice %arg4[%add3A_80, %dma_start3A_83] : memref<8192x384xi32, #tpu.memory_space<hbm>> -> memref<32x384xi32, #tpu.memory_space<hbm>>
    tpu.enqueue_dma source(%arg9 : memref<32x384xi32, #tpu.memory_space<vmem>>) target(%dma_start3A_84 : memref<32x384xi32, #tpu.memory_space<hbm>>) target_semaphore(%arg25 : memref<!tpu.dma_semaphore, #tpu.memory_space<semaphore_mem>>)
    %dma_wait3A_85 = arith.constant 128 : i32
    %dma_wait3A_86 = tpu.memref_slice %arg5[%dma_wait3A_85] : memref<256xi32, #tpu.memory_space<vmem>> -> memref<32xi32, #tpu.memory_space<vmem>>
    %dma_wait3A_87 = arith.constant 0 : i32
    %dma_wait3A_88 = arith.constant 0 : i32
    %dma_wait3A_89 = tpu.memref_slice %arg3[%dma_wait3A_87, %dma_wait3A_88] : memref<1000x384xi32, #tpu.memory_space<hbm>> -> memref<1000x384xi32, #tpu.memory_space<hbm>>
    tpu.wait_indirect_dma semaphore(%arg18 : memref<!tpu.dma_semaphore, #tpu.memory_space<semaphore_mem>>) src(%dma_wait3A_89 : memref<1000x384xi32, #tpu.memory_space<hbm>>) dst(%arg10 : memref<32x384xi32, #tpu.memory_space<vmem>>)
    %add3A_90 = arith.constant 128 : i32
    %add3A_91 = arith.addi %mul3A_2, %add3A_90 : i32
    %dma_start3A_92 = arith.constant 0 : i32
    %dma_start3A_93 = tpu.memref_slice %arg4[%add3A_91, %dma_start3A_92] : memref<8192x384xi32, #tpu.memory_space<hbm>> -> memref<32x384xi32, #tpu.memory_space<hbm>>
    %dma_start3A_94 = arith.constant 0 : i32
    %dma_start3A_95 = tpu.memref_slice %arg4[%add3A_91, %dma_start3A_94] : memref<8192x384xi32, #tpu.memory_space<hbm>> -> memref<32x384xi32, #tpu.memory_space<hbm>>
    tpu.enqueue_dma source(%arg10 : memref<32x384xi32, #tpu.memory_space<vmem>>) target(%dma_start3A_95 : memref<32x384xi32, #tpu.memory_space<hbm>>) target_semaphore(%arg26 : memref<!tpu.dma_semaphore, #tpu.memory_space<semaphore_mem>>)
    %dma_wait3A_96 = arith.constant 160 : i32
    %dma_wait3A_97 = tpu.memref_slice %arg5[%dma_wait3A_96] : memref<256xi32, #tpu.memory_space<vmem>> -> memref<32xi32, #tpu.memory_space<vmem>>
    %dma_wait3A_98 = arith.constant 0 : i32
    %dma_wait3A_99 = arith.constant 0 : i32
    %dma_wait3A_100 = tpu.memref_slice %arg3[%dma_wait3A_98, %dma_wait3A_99] : memref<1000x384xi32, #tpu.memory_space<hbm>> -> memref<1000x384xi32, #tpu.memory_space<hbm>>
    tpu.wait_indirect_dma semaphore(%arg19 : memref<!tpu.dma_semaphore, #tpu.memory_space<semaphore_mem>>) src(%dma_wait3A_100 : memref<1000x384xi32, #tpu.memory_space<hbm>>) dst(%arg11 : memref<32x384xi32, #tpu.memory_space<vmem>>)
    %add3A_101 = arith.constant 160 : i32
    %add3A_102 = arith.addi %mul3A_2, %add3A_101 : i32
    %dma_start3A_103 = arith.constant 0 : i32
    %dma_start3A_104 = tpu.memref_slice %arg4[%add3A_102, %dma_start3A_103] : memref<8192x384xi32, #tpu.memory_space<hbm>> -> memref<32x384xi32, #tpu.memory_space<hbm>>
    %dma_start3A_105 = arith.constant 0 : i32
    %dma_start3A_106 = tpu.memref_slice %arg4[%add3A_102, %dma_start3A_105] : memref<8192x384xi32, #tpu.memory_space<hbm>> -> memref<32x384xi32, #tpu.memory_space<hbm>>
    tpu.enqueue_dma source(%arg11 : memref<32x384xi32, #tpu.memory_space<vmem>>) target(%dma_start3A_106 : memref<32x384xi32, #tpu.memory_space<hbm>>) target_semaphore(%arg27 : memref<!tpu.dma_semaphore, #tpu.memory_space<semaphore_mem>>)
    %dma_wait3A_107 = arith.constant 192 : i32
    %dma_wait3A_108 = tpu.memref_slice %arg5[%dma_wait3A_107] : memref<256xi32, #tpu.memory_space<vmem>> -> memref<32xi32, #tpu.memory_space<vmem>>
    %dma_wait3A_109 = arith.constant 0 : i32
    %dma_wait3A_110 = arith.constant 0 : i32
    %dma_wait3A_111 = tpu.memref_slice %arg3[%dma_wait3A_109, %dma_wait3A_110] : memref<1000x384xi32, #tpu.memory_space<hbm>> -> memref<1000x384xi32, #tpu.memory_space<hbm>>
    tpu.wait_indirect_dma semaphore(%arg20 : memref<!tpu.dma_semaphore, #tpu.memory_space<semaphore_mem>>) src(%dma_wait3A_111 : memref<1000x384xi32, #tpu.memory_space<hbm>>) dst(%arg12 : memref<32x384xi32, #tpu.memory_space<vmem>>)
    %add3A_112 = arith.constant 192 : i32
    %add3A_113 = arith.addi %mul3A_2, %add3A_112 : i32
    %dma_start3A_114 = arith.constant 0 : i32
    %dma_start3A_115 = tpu.memref_slice %arg4[%add3A_113, %dma_start3A_114] : memref<8192x384xi32, #tpu.memory_space<hbm>> -> memref<32x384xi32, #tpu.memory_space<hbm>>
    %dma_start3A_116 = arith.constant 0 : i32
    %dma_start3A_117 = tpu.memref_slice %arg4[%add3A_113, %dma_start3A_116] : memref<8192x384xi32, #tpu.memory_space<hbm>> -> memref<32x384xi32, #tpu.memory_space<hbm>>
    tpu.enqueue_dma source(%arg12 : memref<32x384xi32, #tpu.memory_space<vmem>>) target(%dma_start3A_117 : memref<32x384xi32, #tpu.memory_space<hbm>>) target_semaphore(%arg28 : memref<!tpu.dma_semaphore, #tpu.memory_space<semaphore_mem>>)
    %dma_wait3A_118 = arith.constant 224 : i32
    %dma_wait3A_119 = tpu.memref_slice %arg5[%dma_wait3A_118] : memref<256xi32, #tpu.memory_space<vmem>> -> memref<32xi32, #tpu.memory_space<vmem>>
    %dma_wait3A_120 = arith.constant 0 : i32
    %dma_wait3A_121 = arith.constant 0 : i32
    %dma_wait3A_122 = tpu.memref_slice %arg3[%dma_wait3A_120, %dma_wait3A_121] : memref<1000x384xi32, #tpu.memory_space<hbm>> -> memref<1000x384xi32, #tpu.memory_space<hbm>>
    tpu.wait_indirect_dma semaphore(%arg21 : memref<!tpu.dma_semaphore, #tpu.memory_space<semaphore_mem>>) src(%dma_wait3A_122 : memref<1000x384xi32, #tpu.memory_space<hbm>>) dst(%arg13 : memref<32x384xi32, #tpu.memory_space<vmem>>)
    %add3A_123 = arith.constant 224 : i32
    %add3A_124 = arith.addi %mul3A_2, %add3A_123 : i32
    %dma_start3A_125 = arith.constant 0 : i32
    %dma_start3A_126 = tpu.memref_slice %arg4[%add3A_124, %dma_start3A_125] : memref<8192x384xi32, #tpu.memory_space<hbm>> -> memref<32x384xi32, #tpu.memory_space<hbm>>
    %dma_start3A_127 = arith.constant 0 : i32
    %dma_start3A_128 = tpu.memref_slice %arg4[%add3A_124, %dma_start3A_127] : memref<8192x384xi32, #tpu.memory_space<hbm>> -> memref<32x384xi32, #tpu.memory_space<hbm>>
    tpu.enqueue_dma source(%arg13 : memref<32x384xi32, #tpu.memory_space<vmem>>) target(%dma_start3A_128 : memref<32x384xi32, #tpu.memory_space<hbm>>) target_semaphore(%arg29 : memref<!tpu.dma_semaphore, #tpu.memory_space<semaphore_mem>>)
    %dma_wait3A_129 = arith.constant 0 : i32
    %dma_wait3A_130 = tpu.memref_slice %arg4[%add3A_47, %dma_wait3A_129] : memref<8192x384xi32, #tpu.memory_space<hbm>> -> memref<32x384xi32, #tpu.memory_space<hbm>>
    %dma_wait3A_131 = arith.constant 0 : i32
    %dma_wait3A_132 = tpu.memref_slice %arg4[%add3A_47, %dma_wait3A_131] : memref<8192x384xi32, #tpu.memory_space<hbm>> -> memref<32x384xi32, #tpu.memory_space<hbm>>
    tpu.wait_dma2 semaphore(%arg22 : memref<!tpu.dma_semaphore, #tpu.memory_space<semaphore_mem>>) src(%arg6 : memref<32x384xi32, #tpu.memory_space<vmem>>) dst(%dma_wait3A_132 : memref<32x384xi32, #tpu.memory_space<hbm>>)
    %dma_wait3A_133 = arith.constant 0 : i32
    %dma_wait3A_134 = tpu.memref_slice %arg4[%add3A_58, %dma_wait3A_133] : memref<8192x384xi32, #tpu.memory_space<hbm>> -> memref<32x384xi32, #tpu.memory_space<hbm>>
    %dma_wait3A_135 = arith.constant 0 : i32
    %dma_wait3A_136 = tpu.memref_slice %arg4[%add3A_58, %dma_wait3A_135] : memref<8192x384xi32, #tpu.memory_space<hbm>> -> memref<32x384xi32, #tpu.memory_space<hbm>>
    tpu.wait_dma2 semaphore(%arg23 : memref<!tpu.dma_semaphore, #tpu.memory_space<semaphore_mem>>) src(%arg7 : memref<32x384xi32, #tpu.memory_space<vmem>>) dst(%dma_wait3A_136 : memref<32x384xi32, #tpu.memory_space<hbm>>)
    %dma_wait3A_137 = arith.constant 0 : i32
    %dma_wait3A_138 = tpu.memref_slice %arg4[%add3A_69, %dma_wait3A_137] : memref<8192x384xi32, #tpu.memory_space<hbm>> -> memref<32x384xi32, #tpu.memory_space<hbm>>
    %dma_wait3A_139 = arith.constant 0 : i32
    %dma_wait3A_140 = tpu.memref_slice %arg4[%add3A_69, %dma_wait3A_139] : memref<8192x384xi32, #tpu.memory_space<hbm>> -> memref<32x384xi32, #tpu.memory_space<hbm>>
    tpu.wait_dma2 semaphore(%arg24 : memref<!tpu.dma_semaphore, #tpu.memory_space<semaphore_mem>>) src(%arg8 : memref<32x384xi32, #tpu.memory_space<vmem>>) dst(%dma_wait3A_140 : memref<32x384xi32, #tpu.memory_space<hbm>>)
    %dma_wait3A_141 = arith.constant 0 : i32
    %dma_wait3A_142 = tpu.memref_slice %arg4[%add3A_80, %dma_wait3A_141] : memref<8192x384xi32, #tpu.memory_space<hbm>> -> memref<32x384xi32, #tpu.memory_space<hbm>>
    %dma_wait3A_143 = arith.constant 0 : i32
    %dma_wait3A_144 = tpu.memref_slice %arg4[%add3A_80, %dma_wait3A_143] : memref<8192x384xi32, #tpu.memory_space<hbm>> -> memref<32x384xi32, #tpu.memory_space<hbm>>
    tpu.wait_dma2 semaphore(%arg25 : memref<!tpu.dma_semaphore, #tpu.memory_space<semaphore_mem>>) src(%arg9 : memref<32x384xi32, #tpu.memory_space<vmem>>) dst(%dma_wait3A_144 : memref<32x384xi32, #tpu.memory_space<hbm>>)
    %dma_wait3A_145 = arith.constant 0 : i32
    %dma_wait3A_146 = tpu.memref_slice %arg4[%add3A_91, %dma_wait3A_145] : memref<8192x384xi32, #tpu.memory_space<hbm>> -> memref<32x384xi32, #tpu.memory_space<hbm>>
    %dma_wait3A_147 = arith.constant 0 : i32
    %dma_wait3A_148 = tpu.memref_slice %arg4[%add3A_91, %dma_wait3A_147] : memref<8192x384xi32, #tpu.memory_space<hbm>> -> memref<32x384xi32, #tpu.memory_space<hbm>>
    tpu.wait_dma2 semaphore(%arg26 : memref<!tpu.dma_semaphore, #tpu.memory_space<semaphore_mem>>) src(%arg10 : memref<32x384xi32, #tpu.memory_space<vmem>>) dst(%dma_wait3A_148 : memref<32x384xi32, #tpu.memory_space<hbm>>)
    %dma_wait3A_149 = arith.constant 0 : i32
    %dma_wait3A_150 = tpu.memref_slice %arg4[%add3A_102, %dma_wait3A_149] : memref<8192x384xi32, #tpu.memory_space<hbm>> -> memref<32x384xi32, #tpu.memory_space<hbm>>
    %dma_wait3A_151 = arith.constant 0 : i32
    %dma_wait3A_152 = tpu.memref_slice %arg4[%add3A_102, %dma_wait3A_151] : memref<8192x384xi32, #tpu.memory_space<hbm>> -> memref<32x384xi32, #tpu.memory_space<hbm>>
    tpu.wait_dma2 semaphore(%arg27 : memref<!tpu.dma_semaphore, #tpu.memory_space<semaphore_mem>>) src(%arg11 : memref<32x384xi32, #tpu.memory_space<vmem>>) dst(%dma_wait3A_152 : memref<32x384xi32, #tpu.memory_space<hbm>>)
    %dma_wait3A_153 = arith.constant 0 : i32
    %dma_wait3A_154 = tpu.memref_slice %arg4[%add3A_113, %dma_wait3A_153] : memref<8192x384xi32, #tpu.memory_space<hbm>> -> memref<32x384xi32, #tpu.memory_space<hbm>>
    %dma_wait3A_155 = arith.constant 0 : i32
    %dma_wait3A_156 = tpu.memref_slice %arg4[%add3A_113, %dma_wait3A_155] : memref<8192x384xi32, #tpu.memory_space<hbm>> -> memref<32x384xi32, #tpu.memory_space<hbm>>
    tpu.wait_dma2 semaphore(%arg28 : memref<!tpu.dma_semaphore, #tpu.memory_space<semaphore_mem>>) src(%arg12 : memref<32x384xi32, #tpu.memory_space<vmem>>) dst(%dma_wait3A_156 : memref<32x384xi32, #tpu.memory_space<hbm>>)
    %dma_wait3A_157 = arith.constant 0 : i32
    %dma_wait3A_158 = tpu.memref_slice %arg4[%add3A_124, %dma_wait3A_157] : memref<8192x384xi32, #tpu.memory_space<hbm>> -> memref<32x384xi32, #tpu.memory_space<hbm>>
    %dma_wait3A_159 = arith.constant 0 : i32
    %dma_wait3A_160 = tpu.memref_slice %arg4[%add3A_124, %dma_wait3A_159] : memref<8192x384xi32, #tpu.memory_space<hbm>> -> memref<32x384xi32, #tpu.memory_space<hbm>>
    tpu.wait_dma2 semaphore(%arg29 : memref<!tpu.dma_semaphore, #tpu.memory_space<semaphore_mem>>) src(%arg13 : memref<32x384xi32, #tpu.memory_space<vmem>>) dst(%dma_wait3A_160 : memref<32x384xi32, #tpu.memory_space<hbm>>)
    return
  }
}

module attributes {stable_mosaic.version = 14 : i64} {
  func.func @_tc_ln_body(%arg0: i32, %arg1: i32, %arg2: memref<2048x384xi32, #tpu.memory_space<vmem>>, %arg3: memref<2048x768xf32, #tpu.memory_space<vmem>>, %arg4: memref<2x768xf32, #tpu.memory_space<vmem>>, %arg5: memref<1x768xf32, #tpu.memory_space<vmem>>, %arg6: memref<1x768xf32, #tpu.memory_space<vmem>>, %arg7: memref<2048x768xf32, #tpu.memory_space<vmem>>) attributes {dimension_semantics = [#tpu.dimension_semantics<arbitrary>, #tpu.dimension_semantics<arbitrary>], iteration_bounds = array<i64: 1, 4>, scalar_prefetch = 0 : i64, scratch_operands = 0 : i64, tpu.core_type = #tpu.core_type<tc>, window_params = [{transform_indices = @transform_0, window_bounds = array<i64: 2048, 384>}, {transform_indices = @transform_1, window_bounds = array<i64: 2048, 768>}, {pipeline_mode = #tpu.pipeline_mode<synchronous>, transform_indices = @transform_2, window_bounds = array<i64: 2, 768>}, {pipeline_mode = #tpu.pipeline_mode<synchronous>, transform_indices = @transform_3, window_bounds = array<i64: 1, 768>}, {pipeline_mode = #tpu.pipeline_mode<synchronous>, transform_indices = @transform_4, window_bounds = array<i64: 1, 768>}, {transform_indices = @transform_5, window_bounds = array<i64: 2048, 768>}]} {
    %get3A = arith.constant 0 : index
    %get3A_0 = arith.constant 0 : index
    %get3A_1 = vector.load %arg2[%get3A, %get3A_0] : memref<2048x384xi32, #tpu.memory_space<vmem>>, vector<2048x384xi32>
    %shift_left3A = arith.constant 16 : i32
    %shift_left3A_2 = vector.broadcast %shift_left3A : i32 to vector<2048x384xi32>
    %shift_left3A_3 = arith.shli %get3A_1, %shift_left3A_2 : vector<2048x384xi32>
    %bitcast_convert_type3A = tpu.bitcast %shift_left3A_3 : vector<2048x384xi32> -> vector<2048x384xf32>
    %and3A = arith.constant -65536 : i32
    %and3A_4 = vector.broadcast %and3A : i32 to vector<2048x384xi32>
    %and3A_5 = arith.andi %get3A_1, %and3A_4 : vector<2048x384xi32>
    %bitcast_convert_type3A_6 = tpu.bitcast %and3A_5 : vector<2048x384xi32> -> vector<2048x384xf32>
    %get3A_7 = arith.constant 0 : index
    %get3A_8 = arith.constant 0 : index
    %get3A_9 = vector.load %arg3[%get3A_7, %get3A_8] : memref<2048x768xf32, #tpu.memory_space<vmem>>, vector<2048x384xf32>
    %add3A = arith.addf %bitcast_convert_type3A, %get3A_9 : vector<2048x384xf32>
    %get3A_10 = arith.constant 0 : index
    %get3A_11 = arith.constant 0 : index
    %get3A_12 = vector.load %arg4[%get3A_10, %get3A_11] : memref<2x768xf32, #tpu.memory_space<vmem>>, vector<1x384xf32>
    %add3A_13 = vector.broadcast %get3A_12 : vector<1x384xf32> to vector<2048x384xf32>
    %add3A_14 = arith.addf %add3A, %add3A_13 : vector<2048x384xf32>
    %get3A_15 = arith.constant 0 : index
    %get3A_16 = arith.constant 384 : index
    %get3A_17 = vector.load %arg3[%get3A_15, %get3A_16] : memref<2048x768xf32, #tpu.memory_space<vmem>>, vector<2048x384xf32>
    %add3A_18 = arith.addf %bitcast_convert_type3A_6, %get3A_17 : vector<2048x384xf32>
    %get3A_19 = arith.constant 0 : index
    %get3A_20 = arith.constant 384 : index
    %get3A_21 = vector.load %arg4[%get3A_19, %get3A_20] : memref<2x768xf32, #tpu.memory_space<vmem>>, vector<1x384xf32>
    %add3A_22 = vector.broadcast %get3A_21 : vector<1x384xf32> to vector<2048x384xf32>
    %add3A_23 = arith.addf %add3A_18, %add3A_22 : vector<2048x384xf32>
    %reduce_sum3A = arith.constant dense<0.000000e+00> : vector<2048xf32>
    %reduce_sum3A_24 = vector.multi_reduction <add>, %add3A_14, %reduce_sum3A [1] : vector<2048x384xf32> to vector<2048xf32>
    %broadcast_in_dim3A = vector.shape_cast %reduce_sum3A_24 : vector<2048xf32> to vector<2048x1xf32>
    %reduce_sum3A_25 = arith.constant dense<0.000000e+00> : vector<2048xf32>
    %reduce_sum3A_26 = vector.multi_reduction <add>, %add3A_23, %reduce_sum3A_25 [1] : vector<2048x384xf32> to vector<2048xf32>
    %broadcast_in_dim3A_27 = vector.shape_cast %reduce_sum3A_26 : vector<2048xf32> to vector<2048x1xf32>
    %add3A_28 = arith.addf %broadcast_in_dim3A, %broadcast_in_dim3A_27 : vector<2048x1xf32>
    %mul3A = arith.constant 0.00130208337 : f32
    %mul3A_29 = vector.broadcast %mul3A : f32 to vector<2048x1xf32>
    %mul3A_30 = arith.mulf %add3A_28, %mul3A_29 : vector<2048x1xf32>
    %sub3A = vector.broadcast %mul3A_30 : vector<2048x1xf32> to vector<2048x384xf32>
    %sub3A_31 = arith.subf %add3A_14, %sub3A : vector<2048x384xf32>
    %sub3A_32 = vector.broadcast %mul3A_30 : vector<2048x1xf32> to vector<2048x384xf32>
    %sub3A_33 = arith.subf %add3A_23, %sub3A_32 : vector<2048x384xf32>
    %mul3A_34 = arith.mulf %sub3A_31, %sub3A_31 : vector<2048x384xf32>
    %reduce_sum3A_35 = arith.constant dense<0.000000e+00> : vector<2048xf32>
    %reduce_sum3A_36 = vector.multi_reduction <add>, %mul3A_34, %reduce_sum3A_35 [1] : vector<2048x384xf32> to vector<2048xf32>
    %broadcast_in_dim3A_37 = vector.shape_cast %reduce_sum3A_36 : vector<2048xf32> to vector<2048x1xf32>
    %mul3A_38 = arith.mulf %sub3A_33, %sub3A_33 : vector<2048x384xf32>
    %reduce_sum3A_39 = arith.constant dense<0.000000e+00> : vector<2048xf32>
    %reduce_sum3A_40 = vector.multi_reduction <add>, %mul3A_38, %reduce_sum3A_39 [1] : vector<2048x384xf32> to vector<2048xf32>
    %broadcast_in_dim3A_41 = vector.shape_cast %reduce_sum3A_40 : vector<2048xf32> to vector<2048x1xf32>
    %add3A_42 = arith.addf %broadcast_in_dim3A_37, %broadcast_in_dim3A_41 : vector<2048x1xf32>
    %mul3A_43 = arith.constant 0.00130208337 : f32
    %mul3A_44 = vector.broadcast %mul3A_43 : f32 to vector<2048x1xf32>
    %mul3A_45 = arith.mulf %add3A_42, %mul3A_44 : vector<2048x1xf32>
    %add3A_46 = arith.constant 9.99999996E-13 : f32
    %add3A_47 = vector.broadcast %add3A_46 : f32 to vector<2048x1xf32>
    %add3A_48 = arith.addf %mul3A_45, %add3A_47 : vector<2048x1xf32>
    %rsqrt3A = math.rsqrt %add3A_48 : vector<2048x1xf32>
    %mul3A_49 = vector.broadcast %rsqrt3A : vector<2048x1xf32> to vector<2048x384xf32>
    %mul3A_50 = arith.mulf %sub3A_31, %mul3A_49 : vector<2048x384xf32>
    %get3A_51 = arith.constant 0 : index
    %get3A_52 = arith.constant 0 : index
    %get3A_53 = vector.load %arg5[%get3A_51, %get3A_52] : memref<1x768xf32, #tpu.memory_space<vmem>>, vector<1x384xf32>
    %mul3A_54 = vector.broadcast %get3A_53 : vector<1x384xf32> to vector<2048x384xf32>
    %mul3A_55 = arith.mulf %mul3A_50, %mul3A_54 : vector<2048x384xf32>
    %get3A_56 = arith.constant 0 : index
    %get3A_57 = arith.constant 0 : index
    %get3A_58 = vector.load %arg6[%get3A_56, %get3A_57] : memref<1x768xf32, #tpu.memory_space<vmem>>, vector<1x384xf32>
    %add3A_59 = vector.broadcast %get3A_58 : vector<1x384xf32> to vector<2048x384xf32>
    %add3A_60 = arith.addf %mul3A_55, %add3A_59 : vector<2048x384xf32>
    %swap3A = arith.constant 0 : index
    %swap3A_61 = arith.constant 0 : index
    %swap3A_62 = vector.load %arg7[%swap3A, %swap3A_61] : memref<2048x768xf32, #tpu.memory_space<vmem>>, vector<2048x384xf32>
    tpu.vector_store %arg7[%swap3A, %swap3A_61], %add3A_60 {strides = array<i32>} : memref<2048x768xf32, #tpu.memory_space<vmem>>, vector<2048x384xf32>,
    %mul3A_63 = vector.broadcast %rsqrt3A : vector<2048x1xf32> to vector<2048x384xf32>
    %mul3A_64 = arith.mulf %sub3A_33, %mul3A_63 : vector<2048x384xf32>
    %get3A_65 = arith.constant 0 : index
    %get3A_66 = arith.constant 384 : index
    %get3A_67 = vector.load %arg5[%get3A_65, %get3A_66] : memref<1x768xf32, #tpu.memory_space<vmem>>, vector<1x384xf32>
    %mul3A_68 = vector.broadcast %get3A_67 : vector<1x384xf32> to vector<2048x384xf32>
    %mul3A_69 = arith.mulf %mul3A_64, %mul3A_68 : vector<2048x384xf32>
    %get3A_70 = arith.constant 0 : index
    %get3A_71 = arith.constant 384 : index
    %get3A_72 = vector.load %arg6[%get3A_70, %get3A_71] : memref<1x768xf32, #tpu.memory_space<vmem>>, vector<1x384xf32>
    %add3A_73 = vector.broadcast %get3A_72 : vector<1x384xf32> to vector<2048x384xf32>
    %add3A_74 = arith.addf %mul3A_69, %add3A_73 : vector<2048x384xf32>
    %swap3A_75 = arith.constant 0 : index
    %swap3A_76 = arith.constant 384 : index
    %swap3A_77 = vector.load %arg7[%swap3A_75, %swap3A_76] : memref<2048x768xf32, #tpu.memory_space<vmem>>, vector<2048x384xf32>
    tpu.vector_store %arg7[%swap3A_75, %swap3A_76], %add3A_74 {strides = array<i32>} : memref<2048x768xf32, #tpu.memory_space<vmem>>, vector<2048x384xf32>,
    return
  }
  func.func @transform_0(%arg0: i32, %arg1: i32) -> (i32, i32) {
    %mul3A = arith.constant 1 : i32
    %mul3A_0 = arith.muli %arg1, %mul3A : i32
    %add3A = arith.addi %mul3A_0, %arg0 : i32
    %c0_i32 = arith.constant 0 : i32
    %c0_i32_1 = arith.constant 0 : i32
    return %add3A, %c0_i32 : i32, i32
  }
  func.func @transform_1(%arg0: i32, %arg1: i32) -> (i32, i32) {
    %c0_i32 = arith.constant 0 : i32
    %c0_i32_0 = arith.constant 0 : i32
    return %arg0, %c0_i32 : i32, i32
  }
  func.func @transform_2(%arg0: i32, %arg1: i32) -> (i32, i32) {
    %c0_i32 = arith.constant 0 : i32
    %c0_i32_0 = arith.constant 0 : i32
    %c0_i32_1 = arith.constant 0 : i32
    return %c0_i32, %c0_i32_0 : i32, i32
  }
  func.func @transform_3(%arg0: i32, %arg1: i32) -> (i32, i32) {
    %c0_i32 = arith.constant 0 : i32
    %c0_i32_0 = arith.constant 0 : i32
    %c0_i32_1 = arith.constant 0 : i32
    return %c0_i32, %c0_i32_0 : i32, i32
  }
  func.func @transform_4(%arg0: i32, %arg1: i32) -> (i32, i32) {
    %c0_i32 = arith.constant 0 : i32
    %c0_i32_0 = arith.constant 0 : i32
    %c0_i32_1 = arith.constant 0 : i32
    return %c0_i32, %c0_i32_0 : i32, i32
  }
  func.func @transform_5(%arg0: i32, %arg1: i32) -> (i32, i32) {
    %mul3A = arith.constant 1 : i32
    %mul3A_0 = arith.muli %arg1, %mul3A : i32
    %add3A = arith.addi %mul3A_0, %arg0 : i32
    %c0_i32 = arith.constant 0 : i32
    %c0_i32_1 = arith.constant 0 : i32
    return %add3A, %c0_i32 : i32, i32
  }
}

</mosaic_0001>

<sc_bundles>
// kernel: _embed_ln.4.cloned.1.call-start
scs
__scs_entry_jumppad:
0x0: {  	(pc) =	sbr.rel $0x88, $3  }
0x1: {  	(tag) =	ssettag $0x0;
	lr =	simm.s32 $0x1  }
0x2: {  	[smem:$0x3F9B] =	sst lr;
	_ =	strace $0xD0000000  }
0x3: {  	_ = 	snop  }
0x4: {  	_ = 	snop  }
0x5: {  	_ = 	snop  }
0x6: {  	_ = 	snop  }
0x7: {  	_ = 	snop  }
__scs_overlays_trampoline_lowered:
0x8: {  	[smem:$0x3FAA] =	sst s0  }
0x9: {  	[smem:$0x3FAB] =	sst s1  }
0xa: {  	[smem:$0x3FAC] =	sst s2  }
0xb: {  	[smem:$0x3FAD] =	sst s3  }
0xc: {  	[smem:$0x3FAE] =	sst s4  }
0xd: {  	[smem:$0x3FAF] =	sst s5  }
0xe: {  	[smem:$0x3FB0] =	sst s6  }
0xf: {  	[smem:$0x3FB1] =	sst s7  }
0x10: {  	[smem:$0x3FB2] =	sst s8  }
0x11: {  	[smem:$0x3FB3] =	sst s9;
	s0 =	simm.s32 @!p0 $0x0  }
0x12: {  	s1 =	sld [smem:$0x3F99];
	s0 =	simm.s32 @p0 $0x1  }
0x13: {  	[smem:$0x3FB4] =	sst s0;
	s0 =	simm.s32 @!p1 $0x0  }
0x14: {  	s2 =	sld [smem:$0x3F98];
	s0 =	simm.s32 @p1 $0x1  }
0x15: {  	[smem:$0x3FB5] =	sst s0;
	s0 =	simm.s32 @!p2 $0x0  }
0x16: {  	s3 =	sld [smem:$0x3FDB];
	s0 =	simm.s32 @p2 $0x1  }
0x17: {  	s4 =	simm.s32 $0x1BF5;
	[smem:$0x3FB7] =	sst s0  }
0x18: {  	s0 =	sld [smem:$0x3F9A];
	_ =	swait.ge [sflag:s4], $0x0  }
0x19: {  	s7 =	sld [smem:$0x3F9B]  }
0x1a: {  	s8 =	sadd.s32 $0xFFFFE003, lr  }
0x1b: {  	s9 =	sadd.s32 $0xFFFFFEF7, lr;
	s5 =	simm.s32 $0xFFFFFFFF;
	p2 =	slt.u32 s8, $0xFFFFF086  }
0x1c: {  	p1 =	slt.u32 s9, $0xF7A;
	s5 =	simm.s32 @!p2 $0x0  }
0x1d: {  	s5 =	simm.s32 @p1 $0x1;
	p0 =	seq.s32 s7, s2  }
0x1e: {  	s7 =	smul.u32 @!p0 $0xF7A, s2;
	p2 =	seq.s32 @!p0 s5, $0x0  }
0x1f: {  	s9 =	smul.u32 $0xF7A, s1;
	s8 =	simm.s32 @!p0 $0x1BF5;
	p2 =	por !p2, p0  }
0x20: {  	[sflag:s8] =	ssyncset.s32 @!p0 $0xFFFFF086;
	s6 =	sadd.s32 @!p0 s3, s7;
	s7 =	simm.s32 @!p0 $0x108  }
0x21: {  	s3 =	sadd.s32 s3, s9;
	s6 =	sadd.s32 @!p0 $0x88, s6;
	s7 =	simm.s32 @p2 $0x1082  }
0x22: {  	[simem:s7], [sflag:s8] =	dma.local @!p0 [hbm:s6], $0xF7A  }
0x23: {  	s9 =	sor.u32 $0xD0000000, s2;
	s6 =	simm.s32 $0x108;
	_ =	swait.ge @!p0 [sflag:s8], $0x0  }
0x24: {  	s3 =	sadd.s32 $0x88, s3;
	s6 =	simm.s32 @!p1 $0x1082;
	[sflag:s4] =	ssyncset.s32 $0xFFFFF086  }
0x25: {  	[simem:s6], [sflag:s4] =	dma.local [hbm:s3], $0xF7A  }
0x26: {  	[smem:$0x3F9B] =	sst s1;
	(tag) =	ssettag s2;
	_ =	strace s9  }
0x27: {  	s1 =	sld [smem:$0x3FAB]  }
0x28: {  	s2 =	sld [smem:$0x3FAC]  }
0x29: {  	s4 =	sld [smem:$0x3FAE]  }
0x2a: {  	p0 =	seq.s32 s5, $0x0;
	s5 =	sld [smem:$0x3FAF]  }
0x2b: {  	s6 =	sld [smem:$0x3FB0]  }
0x2c: {  	s7 =	sld [smem:$0x3FB1]  }
0x2d: {  	s3 =	simm.s32 $0x108;
	s8 =	sld [smem:$0x3FB2]  }
0x2e: {  	s3 =	simm.s32 @!p0 $0x1082;
	s9 =	sld [smem:$0x3FB3]  }
0x2f: {  	lr =	sadd.s32 s0, s3;
	s0 =	sld [smem:$0x3FAA]  }
0x30: {  	s3 =	sld [smem:$0x3FAD]  }
0x31: {  	[smem:$0x3FB6] =	sst s10  }
0x32: {  	s10 =	sld [smem:$0x3FB4];
	_ =	sdelay $0x3  }
0x33: {  	p0 =	seq.s32 s10, $0x1;
	s10 =	sld [smem:$0x3FB6];
	_ =	sdelay $0x3  }
0x34: {  	[smem:$0x3FB6] =	sst s10  }
0x35: {  	s10 =	sld [smem:$0x3FB5];
	_ =	sdelay $0x3  }
0x36: {  	p1 =	seq.s32 s10, $0x1;
	s10 =	sld [smem:$0x3FB6];
	_ =	sdelay $0x3  }
0x37: {  	[smem:$0x3FB6] =	sst s10  }
0x38: {  	s10 =	sld [smem:$0x3FB7]  }
0x39: {  	_ = 	snop;
	(pc) =	sbr.ind lr, $3  }
0x3a: {  	_ = 	snop  }
0x3b: {  	_ = 	snop  }
0x3c: {  	p2 =	seq.s32 s10, $0x1;
	s10 =	sld [smem:$0x3FB6]  }
0x3d: {  	_ =	shalt  }
0x3e: {  	_ =	shalt  }
0x3f: {  	_ =	shalt  }
0x40: {  	_ =	shalt  }
0x41: {  	_ =	shalt  }
0x42: {  	_ =	shalt  }
0x43: {  	_ =	shalt  }
0x44: {  	_ =	shalt  }
0x45: {  	_ =	shalt  }
0x46: {  	_ =	shalt  }
0x47: {  	_ =	shalt  }
0x48: {  	_ =	shalt  }
0x49: {  	_ =	shalt  }
0x4a: {  	_ =	shalt  }
0x4b: {  	_ =	shalt  }
0x4c: {  	_ =	shalt  }
0x4d: {  	_ =	shalt  }
0x4e: {  	_ =	shalt  }
0x4f: {  	_ =	shalt  }
0x50: {  	_ =	shalt  }
0x51: {  	_ =	shalt  }
0x52: {  	_ =	shalt  }
0x53: {  	_ =	shalt  }
0x54: {  	_ =	shalt  }
0x55: {  	_ =	shalt  }
0x56: {  	_ =	shalt  }
0x57: {  	_ =	shalt  }
0x58: {  	_ =	shalt  }
0x59: {  	_ =	shalt  }
0x5a: {  	_ =	shalt  }
0x5b: {  	_ =	shalt  }
0x5c: {  	_ =	shalt  }
0x5d: {  	_ =	shalt  }
0x5e: {  	_ =	shalt  }
0x5f: {  	_ =	shalt  }
0x60: {  	_ =	shalt  }
0x61: {  	_ =	shalt  }
0x62: {  	_ =	shalt  }
0x63: {  	_ =	shalt  }
0x64: {  	_ =	shalt  }
0x65: {  	_ =	shalt  }
0x66: {  	_ =	shalt  }
0x67: {  	_ =	shalt  }
0x68: {  	_ =	shalt  }
0x69: {  	_ =	shalt  }
0x6a: {  	_ =	shalt  }
0x6b: {  	_ =	shalt  }
0x6c: {  	_ =	shalt  }
0x6d: {  	_ =	shalt  }
0x6e: {  	_ =	shalt  }
0x6f: {  	_ =	shalt  }
0x70: {  	_ =	shalt  }
0x71: {  	_ =	shalt  }
0x72: {  	_ =	shalt  }
0x73: {  	_ =	shalt  }
0x74: {  	_ =	shalt  }
0x75: {  	_ =	shalt  }
0x76: {  	_ =	shalt  }
0x77: {  	_ =	shalt  }
0x78: {  	_ =	shalt  }
0x79: {  	_ =	shalt  }
0x7a: {  	_ =	shalt  }
0x7b: {  	_ =	shalt  }
0x7c: {  	_ =	shalt  }
0x7d: {  	_ =	shalt  }
0x7e: {  	_ =	shalt  }
0x7f: {  	_ =	shalt  }
0x80: {  	_ =	shalt  }
0x81: {  	_ =	shalt  }
0x82: {  	_ =	shalt  }
0x83: {  	_ =	shalt  }
0x84: {  	_ =	shalt  }
0x85: {  	_ =	shalt  }
0x86: {  	_ =	shalt  }
0x87: {  	_ =	shalt  }
.Lfunc_end0:
.L_simem_size_0:
called_computation_lowered:
.L_overlay_start_0:
0x88: {  	s2 =	sld [smem:$0x3FD9]  }
0x89: {  	s3 =	sld [smem:$0x3FFE];
	_ =	sdelay $0x1  }
0x8a: {  	s1 =	srdreg.scid  }
0x8b: {  	s0 =	sand.u32 $0x1, s1  }
0x8c: {  	s17 =	sshll.u32 s0, $0xA;
	s2 =	sadd.s32 s3, s2  }
0x8d: {  	s2 =	sadd.s32 s2, s17  }
0x8e: {  	[smem:$0x3FC2] =	sst s2  }
0x8f: {  	_ = 	snop  }
0x90: {  	s2 =	sld [smem:$0x3FC9]  }
0x91: {  	s18 =	sld [smem:$0x3FD0];
	(tm) =	ssettm $0x1  }
0x92: {  	s4 =	sld [smem:$0x3FFB];
	_ =	sdelay $0x3  }
0x93: {  	_ =	strace s4  }
0x94: {  	s4 =	sld [smem:$0x3FFC];
	_ =	sdelay $0x3  }
0x95: {  	_ =	strace s4  }
0x96: {  	s4 =	sld [smem:$0x3FFD];
	_ =	sdelay $0x3  }
0x97: {  	_ =	strace s4  }
0x98: {  	_ =	strace $0x8FFFFFFF  }
0x99: {  	s19 =	sld [smem:$0x3FDB];
	_ =	sdelay $0x1  }
0x9a: {  	s5 =	simm.s32 $_scs_section_size  }
0x9b: {  	s6 =	simm.s32 $_size__tile_overlayer_lowered;
	s7 =	simm.s32 $_tile_overlayer_lowered  }
0x9c: {  	s22 =	simm.s32 $0x1BFF;
	s21 =	sshll.u32 s7, $0x1;
	s4 =	sadd.s32 s5, s19  }
0x9d: {  	s8 =	simm.s32 $0x0;
	s20 =	sshll.u32 s6, $0x1;
	s6 =	sadd.s32 s21, s4  }
0x9e: {  	[timem:s8], [sflag:s22] =	dma.local [hbm:s6], s20  }
0x9f: {  	_ =	swait.ge [sflag:s22], s20  }
0xa0: {  	s5 =	ssub.s32 $0x0, s20;
	[sflag:s22] =	ssyncset.done $0x0  }
0xa1: {  	[sflag:s22] =	ssyncadd.s32 s5;
	_ =	sdelay $0x1  }
0xa2: {  	s23 =	simm.s32 $0x1B8B  }
0xa3: {  	_ =	swait.ge [sflag:s23], $0x1  }
0xa4: {  	[sflag:s23] =	ssyncset.done $0x0  }
0xa5: {  	s25 =	simm.s32 $0x1B8E;
	s24 =	sld [smem:$0x3FFE];
	[sflag:s23] =	ssyncadd.s32 $0xFFFFFFFF  }
0xa6: {  	s26 =	simm.s32 $execute0_lowered;
	[smem:$0x3FD2] =	sst s25  }
0xa7: {  	s6 =	sshll.u32 s26, $0x1;
	_ =	strace $0x80000046;
	[dreg:$0x1] =	wrdreg $0xFFFFFFFF  }
0xa8: {  	s28 =	simm.s32 $_size_execute0_lowered;
	s4 =	sadd.s32 s4, s6;
	[dreg:$0x0] =	wrdreg $0x0  }
0xa9: {  	s6 =	sshll.u32 s28, $0x1;
	[dreg:$0x2] =	wrdreg s4  }
0xaa: {  	[dreg:$0x3] =	wrdreg s6  }
0xab: {  	[dreg:$0x4] =	wrdreg $0xC0  }
0xac: {  	_ =	task [dreg:s8], $0x5FFFF  }
0xad: {  	[dreg:$0x1] =	wrdreg $0xFFFFFFFF  }
0xae: {  	[dreg:$0x0] =	wrdreg $0x60  }
0xaf: {  	[dreg:$0x2] =	wrdreg s2  }
0xb0: {  	[dreg:$0x3] =	wrdreg s24  }
0xb1: {  	[dreg:$0x4] =	wrdreg s18  }
0xb2: {  	[dreg:$0x5] =	wrdreg $0x9  }
0xb3: {  	_ =	task.clear_ibuf [dreg:s8], $0x6FFFF;
	_ =	strace $0x90000046  }
0xb4: {  	s29 =	simm.s32 $0x9;
	_ =	strace $0x80000048  }
0xb5: {  	_ =	swait.ge [sflag:s29], $0x1  }
0xb6: {  	[sflag:s29] =	ssyncadd.s32 $0xFFFFFFFF  }
0xb7: {  	_ =	strace $0x90000048  }
0xb8: {  	_ =	sfence  }
0xb9: {  	s30 =	sld [smem:$0x0];
	_ =	sdelay $0x2  }
0xba: {  	s31 =	sshll.u32 s1, $0xD;
	s1 =	sshrl.u32 s1, $0x2  }
0xbb: {  	s3 =	sand.u32 $0x4000, s31;
	s1 =	sadd.s32 s1, s30  }
0xbc: {  	s0 =	sor.u32 s3, s0;
	s1 =	sshll.u32 s1, $0x11  }
0xbd: {  	s0 =	sor.u32 s1, s0  }
0xbe: {  	s0 =	sadd.s32 $0x8F2B, s0  }
0xbf: {  	[sflag:s0] =	ssyncadd.remote.s32 $0x1  }
0xc0: {  	_ =	sfence.sel $0xFFFF  }
0xc1: {  	[dreg:$0x0] =	wrdreg $0xFFFFFFFF;
	(pc) =	sbr.abs _section_cstart, $3  }
0xc2: {  	[dreg:$0x1] =	wrdreg $0xFFFFFFFF  }
0xc3: {  	_ =	task.clear_ibuf [dreg:s8], $0x2FFFF;
	_ =	strace $0x9FFFFFFF  }
0xc4: {  	(tm) =	ssettm $0x7FFFFFFF  }
0xc5: {  	_ =	shalt  }
tec
execute0_lowered:
.L_overlay_start_1:
0x0: {  	(tag) =	ssettag $0x1  }
0x1: {  	s1 =	srdreg.scid  }
0x2: {  	s0 =	stileid.u32;
	s5 =	sand.u32 $0x1, s1  }
0x3: {  	s3 =	rddreg [dreg:$0x0];
	s2 =	sshll.u32 s0, $0x6;
	s4 =	sshll.u32 s5, $0x5  }
0x4: {  	s6 =	rddreg [dreg:$0x2];
	s4 =	sor.u32 s4, s2  }
0x5: {  	s1 =	rddreg [dreg:$0x1];
	s2 =	simm.s32 $0x0;
	s7 =	smul.u32 $0x180, s4  }
0x6: {  	[smem:$0x7FF] =	sst s2;
	s8 =	smul.u32 $0xC00, s4;
	s4 =	sadd.s32 s3, s4  }
0x7: {  	s16 =	simm.s32 $0x900;
	_ =	strace $0x80000047;
	[dreg:$0x4] =	wrdreg s4  }
0x8: {  	s17 =	simm.s32 $0xD00;
	[dreg:$0xc] =	wrdreg s16  }
0x9: {  	s18 =	simm.s32 $0x1500;
	[dreg:$0xd] =	wrdreg s17  }
0xa: {  	s19 =	simm.s32 $0x1900;
	[dreg:$0xe] =	wrdreg s18  }
0xb: {  	s20 =	simm.s32 $0x2100;
	[dreg:$0xf] =	wrdreg s19  }
0xc: {  	s21 =	simm.s32 $0x2500;
	[dreg:$0x10] =	wrdreg s20  }
0xd: {  	s22 =	simm.s32 $0x2D00;
	[dreg:$0x11] =	wrdreg s21  }
0xe: {  	s23 =	simm.s32 $0x3900;
	[dreg:$0x12] =	wrdreg s22  }
0xf: {  	s24 =	simm.s32 $0x3D00;
	[dreg:$0x13] =	wrdreg s23  }
0x10: {  	s25 =	simm.s32 $0x4500;
	[dreg:$0x14] =	wrdreg s24  }
0x11: {  	s26 =	simm.s32 $0x4900;
	[dreg:$0x15] =	wrdreg s25  }
0x12: {  	s0 =	simm.s32 $0x5100;
	[dreg:$0x16] =	wrdreg s26  }
0x13: {  	[dreg:$0x17] =	wrdreg s0;
	s16 =	simm.s32 $0xA500  }
0x14: {  	s17 =	simm.s32 $0xA900;
	[smem:$0x7DD] =	sst s16  }
0x15: {  	s18 =	simm.s32 $0xB100;
	[smem:$0x7DE] =	sst s17  }
0x16: {  	s19 =	simm.s32 $0xB500;
	[smem:$0x7DF] =	sst s18  }
0x17: {  	s20 =	simm.s32 $0xBD00;
	[smem:$0x7E0] =	sst s19  }
0x18: {  	s21 =	simm.s32 $0xC900;
	[smem:$0x7E1] =	sst s20  }
0x19: {  	s22 =	simm.s32 $0xCD00;
	[smem:$0x7E2] =	sst s21  }
0x1a: {  	s23 =	simm.s32 $0xD500;
	[smem:$0x7E3] =	sst s22  }
0x1b: {  	s24 =	simm.s32 $0xD900;
	[smem:$0x7E4] =	sst s23  }
0x1c: {  	s25 =	simm.s32 $0xE100;
	[smem:$0x7E5] =	sst s24  }
0x1d: {  	s26 =	simm.s32 $0xE500;
	[smem:$0x7E6] =	sst s25  }
0x1e: {  	s0 =	simm.s32 $0xED00;
	[smem:$0x7E7] =	sst s26  }
0x1f: {  	s3 =	sadd.s32 s6, s7;
	[smem:$0x7E8] =	sst s0  }
0x20: {  	s9 =	sshrl.u32 s8, $0x3;
	s8 =	simm.s32 $0x6D00;
	[smem:$0x7D9] =	sst s3  }
0x21: {  	s16 =	simm.s32 $0x13900;
	[dreg:$0x1b] =	wrdreg s8  }
0x22: {  	s17 =	simm.s32 $0x14100;
	[smem:$0x7F3] =	sst s16  }
0x23: {  	s18 =	simm.s32 $0x14500;
	[smem:$0x7F4] =	sst s17  }
0x24: {  	s19 =	simm.s32 $0x14D00;
	[smem:$0x7F5] =	sst s18  }
0x25: {  	s20 =	simm.s32 $0x15900;
	[smem:$0x7F6] =	sst s19  }
0x26: {  	s21 =	simm.s32 $0x15D00;
	[smem:$0x7F7] =	sst s20  }
0x27: {  	s22 =	simm.s32 $0x16500;
	[smem:$0x7F8] =	sst s21  }
0x28: {  	s23 =	simm.s32 $0x16900;
	[smem:$0x7F9] =	sst s22  }
0x29: {  	s24 =	simm.s32 $0x17100;
	[smem:$0x7FA] =	sst s23  }
0x2a: {  	s25 =	simm.s32 $0x17500;
	[smem:$0x7FB] =	sst s24  }
0x2b: {  	s26 =	simm.s32 $0x17D00;
	[smem:$0x7FC] =	sst s25  }
0x2c: {  	s7 =	sadd.s32 $0x600, s3;
	[smem:$0x7FD] =	sst s26  }
0x2d: {  	s10 =	sadd.s32 $0xC00, s3;
	[dreg:$0x5] =	wrdreg s7  }
0x2e: {  	s3 =	simm.s32 $0x5500;
	[dreg:$0x6] =	wrdreg s10  }
0x2f: {  	s6 =	sadd.s32 s6, s9;
	s9 =	simm.s32 $0x7500;
	[dreg:$0x18] =	wrdreg s3  }
0x30: {  	s8 =	simm.s32 $0x10900;
	[dreg:$0x1c] =	wrdreg s9  }
0x31: {  	s11 =	sadd.s32 $0x1200, s6;
	[smem:$0x7EC] =	sst s8  }
0x32: {  	s12 =	sadd.s32 $0x1800, s6;
	[dreg:$0x7] =	wrdreg s11  }
0x33: {  	s28 =	simm.s32 $0xC;
	s13 =	sadd.s32 $0x1E00, s6;
	[dreg:$0x8] =	wrdreg s12  }
0x34: {  	s29 =	simm.s32 $0xD;
	s14 =	sadd.s32 $0x2400, s6;
	[dreg:$0x9] =	wrdreg s13  }
0x35: {  	s30 =	simm.s32 $0xE;
	s15 =	sadd.s32 $0x2A00, s6;
	[dreg:$0xa] =	wrdreg s14  }
0x36: {  	s31 =	simm.s32 $0xF;
	s6 =	simm.s32 $0x5D00;
	[dreg:$0xb] =	wrdreg s15  }
0x37: {  	s5 =	ssub.s32 $0x2, s5;
	s7 =	simm.s32 $0x6900;
	[dreg:$0x19] =	wrdreg s6  }
0x38: {  	s4 =	sadd.s32 $0xC00, s1;
	s10 =	simm.s32 $0x7900;
	[dreg:$0x1a] =	wrdreg s7  }
0x39: {  	s16 =	simm.s32 $0x1;
	s3 =	simm.s32 $0xF900;
	[dreg:$0x1d] =	wrdreg s10  }
0x3a: {  	s17 =	simm.s32 $0x2;
	s9 =	simm.s32 $0x11100;
	[smem:$0x7E9] =	sst s3  }
0x3b: {  	s18 =	simm.s32 $0x3;
	s11 =	simm.s32 $0x8100;
	[smem:$0x7ED] =	sst s9  }
0x3c: {  	s19 =	simm.s32 $0x4;
	s12 =	simm.s32 $0x8500;
	[dreg:$0x1e] =	wrdreg s11  }
0x3d: {  	s20 =	simm.s32 $0x5;
	s13 =	simm.s32 $0x8D00;
	[dreg:$0x1f] =	wrdreg s12  }
0x3e: {  	s21 =	simm.s32 $0x6;
	s14 =	simm.s32 $0x9900;
	[smem:$0x7DA] =	sst s13  }
0x3f: {  	s22 =	simm.s32 $0x7;
	s15 =	simm.s32 $0x9D00;
	[smem:$0x7DB] =	sst s14  }
0x40: {  	s23 =	simm.s32 $0x8;
	s6 =	simm.s32 $0xFD00;
	[smem:$0x7DC] =	sst s15  }
0x41: {  	s24 =	simm.s32 $0x9;
	s7 =	simm.s32 $0x10500;
	[smem:$0x7EA] =	sst s6  }
0x42: {  	s25 =	simm.s32 $0xA;
	s10 =	simm.s32 $0x11500;
	[smem:$0x7EB] =	sst s7  }
0x43: {  	s26 =	simm.s32 $0xB;
	[smem:$0x7EE] =	sst s10;
	s11 =	simm.s32 $0x11D00  }
0x44: {  	s8 =	simm.s32 $0x100;
	s12 =	simm.s32 $0x12900;
	[smem:$0x7EF] =	sst s11  }
0x45: {  	s9 =	simm.s32 $0x3100;
	s13 =	simm.s32 $0x12D00;
	[smem:$0x7F0] =	sst s12  }
0x46: {  	s14 =	sshrl.u32 s5, $0x1;
	s15 =	simm.s32 $0x13500;
	[smem:$0x7F1] =	sst s13  }
0x47: {  	s10 =	simm.s32 $0x6100;
	s7 =	ssub.s32 s5, s14;
	[smem:$0x7F2] =	sst s15  }
0x48: {  	v2 =	vlaneseq.u32;
	s5 =	sadd.s32 $0xD00, s1;
	s11 =	simm.s32 $0x9100;
	s12 =	simm.s32 $0xC100  }
0x49: {  	vm0 =	vmmov $0xffff;
	vm1 =	vmmov $0xff;
	v1 =	vshrl.u32 v2, $0x3;
	s13 =	simm.s32 $0xF100;
	s14 =	simm.s32 $0x12100;
	s15 =	simm.s32 $0x15100  }
0x4a: {  	v0 =	vand.u32 $0x7, v2;
	v2 =	vor.u32 $0x8, v2;
	v1 =	vmul.u32 $0x8, v1;
	s1 =	simm.s32 $0x10;
	s6 =	smax.u32 s7, $0x1;
	s7 =	simm.s32 $0x11  }
.LBB2_1:
0x4b: {  	s0 =	rddreg [dreg:$0x4]  }
0x4c: {  	[tilespmem:s2], [sflag:$0x11] =	stream.linear.gather [hbm4b:s0+s2], $0x100, $0x38;
	[tilespmem:$0x18100] =	vst v63  }
0x4d: {  	_ =	swait.ge [sflag:s7], $0x100  }
0x4e: {  	[sflag:s7] =	ssyncset.done $0x0  }
0x4f: {  	[sflag:s7] =	ssyncadd.s32 $0xFFFFFF00  }
0x50: {  	v3 =	vld [tilespmem:$0x0];
	_ =	sdelay $0x4  }
0x51: {  	v4 =	vshrl.u32 v3, $0x3  }
0x52: {  	v4 =	vmul.u32 $0x18, v4  }
0x53: {  	v3 =	vand.u32 $0x7, v3  }
0x54: {  	v3 =	vor.u32 v3, v4  }
0x55: {  	v4 =	vperm.xlane v3, v0;
	_ =	sdelay $0x1  }
0x56: {  	v4 =	vadd.s32 v1, v4;
	_ =	sdelay $0x1  }
0x57: {  	v3 =	vperm.xlane v3, v2;
	_ =	sdelay $0x1  }
0x58: {  	v3 =	vadd.s32 v1, v3  }
0x59: {  	[tilespmem:s8], [sflag:$0x1] =	stream.indirect_vreg.gather [hbm4b:s4+s2], $0x80, v4, vm0, $0xb8;
	[tilespmem:$0x18100] =	vst v63  }
0x5a: {  	s0 =	rddreg [dreg:$0xc]  }
0x5b: {  	[tilespmem:s0], [sflag:$0x1] =	stream.indirect_vreg.gather [hbm4b:s5+s2], $0x80, v4, vm1, $0xb8;
	[tilespmem:$0x18100] =	vst v63  }
0x5c: {  	s3 =	rddreg [dreg:$0xd]  }
0x5d: {  	[tilespmem:s3], [sflag:$0x1] =	stream.indirect_vreg.gather [hbm4b:s4+s2], $0x80, v3, vm0, $0xb8;
	[tilespmem:$0x18100] =	vst v63  }
0x5e: {  	s0 =	rddreg [dreg:$0xe]  }
0x5f: {  	[tilespmem:s0], [sflag:$0x1] =	stream.indirect_vreg.gather [hbm4b:s5+s2], $0x80, v3, vm1, $0xb8;
	[tilespmem:$0x18100] =	vst v63  }
0x60: {  	v3 =	vld [tilespmem:$0x10];
	_ =	sdelay $0x4  }
0x61: {  	v49 =	vshrl.u32 v3, $0x3  }
0x62: {  	v4 =	vmul.u32 $0x18, v49  }
0x63: {  	v3 =	vand.u32 $0x7, v3  }
0x64: {  	v3 =	vor.u32 v3, v4  }
0x65: {  	v4 =	vperm.xlane v3, v0;
	_ =	sdelay $0x1  }
0x66: {  	v4 =	vadd.s32 v1, v4;
	_ =	sdelay $0x1  }
0x67: {  	v3 =	vperm.xlane v3, v2;
	_ =	sdelay $0x1  }
0x68: {  	s0 =	rddreg [dreg:$0xf];
	v3 =	vadd.s32 v1, v3  }
0x69: {  	[tilespmem:s0], [sflag:$0x1] =	stream.indirect_vreg.gather [hbm4b:s4+s2], $0x80, v4, vm0, $0xb8;
	[tilespmem:$0x18100] =	vst v63  }
0x6a: {  	s3 =	rddreg [dreg:$0x10]  }
0x6b: {  	[tilespmem:s3], [sflag:$0x1] =	stream.indirect_vreg.gather [hbm4b:s5+s2], $0x80, v4, vm1, $0xb8;
	[tilespmem:$0x18100] =	vst v63  }
0x6c: {  	s0 =	rddreg [dreg:$0x11]  }
0x6d: {  	[tilespmem:s0], [sflag:$0x1] =	stream.indirect_vreg.gather [hbm4b:s4+s2], $0x80, v3, vm0, $0xb8;
	[tilespmem:$0x18100] =	vst v63  }
0x6e: {  	s3 =	rddreg [dreg:$0x12]  }
0x6f: {  	[tilespmem:s3], [sflag:$0x1] =	stream.indirect_vreg.gather [hbm4b:s5+s2], $0x80, v3, vm1, $0xb8;
	[tilespmem:$0x18100] =	vst v63  }
0x70: {  	v3 =	vld [tilespmem:$0x20];
	_ =	sdelay $0x4  }
0x71: {  	v50 =	vshrl.u32 v3, $0x3  }
0x72: {  	v4 =	vmul.u32 $0x18, v50  }
0x73: {  	v3 =	vand.u32 $0x7, v3  }
0x74: {  	v3 =	vor.u32 v3, v4  }
0x75: {  	v4 =	vperm.xlane v3, v0;
	_ =	sdelay $0x1  }
0x76: {  	v4 =	vadd.s32 v1, v4;
	_ =	sdelay $0x1  }
0x77: {  	v3 =	vperm.xlane v3, v2;
	_ =	sdelay $0x1  }
0x78: {  	v3 =	vadd.s32 v1, v3  }
0x79: {  	[tilespmem:s9], [sflag:$0x2] =	stream.indirect_vreg.gather [hbm4b:s4+s2], $0x80, v4, vm0, $0xb8;
	[tilespmem:$0x18100] =	vst v63  }
0x7a: {  	s0 =	rddreg [dreg:$0x13]  }
0x7b: {  	[tilespmem:s0], [sflag:$0x2] =	stream.indirect_vreg.gather [hbm4b:s5+s2], $0x80, v4, vm1, $0xb8;
	[tilespmem:$0x18100] =	vst v63  }
0x7c: {  	s3 =	rddreg [dreg:$0x14]  }
0x7d: {  	[tilespmem:s3], [sflag:$0x2] =	stream.indirect_vreg.gather [hbm4b:s4+s2], $0x80, v3, vm0, $0xb8;
	[tilespmem:$0x18100] =	vst v63  }
0x7e: {  	s0 =	rddreg [dreg:$0x15]  }
0x7f: {  	[tilespmem:s0], [sflag:$0x2] =	stream.indirect_vreg.gather [hbm4b:s5+s2], $0x80, v3, vm1, $0xb8;
	[tilespmem:$0x18100] =	vst v63  }
0x80: {  	v3 =	vld [tilespmem:$0x30];
	_ =	sdelay $0x4  }
0x81: {  	v51 =	vshrl.u32 v3, $0x3  }
0x82: {  	v4 =	vmul.u32 $0x18, v51  }
0x83: {  	v3 =	vand.u32 $0x7, v3  }
0x84: {  	v3 =	vor.u32 v3, v4  }
0x85: {  	v4 =	vperm.xlane v3, v0;
	_ =	sdelay $0x1  }
0x86: {  	v4 =	vadd.s32 v1, v4;
	_ =	sdelay $0x1  }
0x87: {  	v3 =	vperm.xlane v3, v2;
	_ =	sdelay $0x1  }
0x88: {  	s0 =	rddreg [dreg:$0x16];
	v3 =	vadd.s32 v1, v3  }
0x89: {  	[tilespmem:s0], [sflag:$0x2] =	stream.indirect_vreg.gather [hbm4b:s4+s2], $0x80, v4, vm0, $0xb8;
	[tilespmem:$0x18100] =	vst v63  }
0x8a: {  	s3 =	rddreg [dreg:$0x17]  }
0x8b: {  	[tilespmem:s3], [sflag:$0x2] =	stream.indirect_vreg.gather [hbm4b:s5+s2], $0x80, v4, vm1, $0xb8;
	[tilespmem:$0x18100] =	vst v63  }
0x8c: {  	s0 =	rddreg [dreg:$0x18]  }
0x8d: {  	[tilespmem:s0], [sflag:$0x2] =	stream.indirect_vreg.gather [hbm4b:s4+s2], $0x80, v3, vm0, $0xb8;
	[tilespmem:$0x18100] =	vst v63  }
0x8e: {  	s3 =	rddreg [dreg:$0x19]  }
0x8f: {  	[tilespmem:s3], [sflag:$0x2] =	stream.indirect_vreg.gather [hbm4b:s5+s2], $0x80, v3, vm1, $0xb8;
	[tilespmem:$0x18100] =	vst v63  }
0x90: {  	v3 =	vld [tilespmem:$0x40];
	_ =	sdelay $0x4  }
0x91: {  	v52 =	vshrl.u32 v3, $0x3  }
0x92: {  	v4 =	vmul.u32 $0x18, v52  }
0x93: {  	v3 =	vand.u32 $0x7, v3  }
0x94: {  	v3 =	vor.u32 v3, v4  }
0x95: {  	v4 =	vperm.xlane v3, v0;
	_ =	sdelay $0x1  }
0x96: {  	v4 =	vadd.s32 v1, v4;
	_ =	sdelay $0x1  }
0x97: {  	v3 =	vperm.xlane v3, v2;
	_ =	sdelay $0x1  }
0x98: {  	v3 =	vadd.s32 v1, v3  }
0x99: {  	[tilespmem:s10], [sflag:$0x3] =	stream.indirect_vreg.gather [hbm4b:s4+s2], $0x80, v4, vm0, $0xb8;
	[tilespmem:$0x18100] =	vst v63  }
0x9a: {  	s0 =	rddreg [dreg:$0x1a]  }
0x9b: {  	[tilespmem:s0], [sflag:$0x3] =	stream.indirect_vreg.gather [hbm4b:s5+s2], $0x80, v4, vm1, $0xb8;
	[tilespmem:$0x18100] =	vst v63  }
0x9c: {  	s3 =	rddreg [dreg:$0x1b]  }
0x9d: {  	[tilespmem:s3], [sflag:$0x3] =	stream.indirect_vreg.gather [hbm4b:s4+s2], $0x80, v3, vm0, $0xb8;
	[tilespmem:$0x18100] =	vst v63  }
0x9e: {  	s0 =	rddreg [dreg:$0x1c]  }
0x9f: {  	[tilespmem:s0], [sflag:$0x3] =	stream.indirect_vreg.gather [hbm4b:s5+s2], $0x80, v3, vm1, $0xb8;
	[tilespmem:$0x18100] =	vst v63  }
0xa0: {  	v3 =	vld [tilespmem:$0x50];
	_ =	sdelay $0x4  }
0xa1: {  	v53 =	vshrl.u32 v3, $0x3  }
0xa2: {  	v4 =	vmul.u32 $0x18, v53  }
0xa3: {  	v3 =	vand.u32 $0x7, v3  }
0xa4: {  	v3 =	vor.u32 v3, v4  }
0xa5: {  	v4 =	vperm.xlane v3, v0;
	_ =	sdelay $0x1  }
0xa6: {  	v4 =	vadd.s32 v1, v4;
	_ =	sdelay $0x1  }
0xa7: {  	v3 =	vperm.xlane v3, v2  }
0xa8: {  	s3 =	rddreg [dreg:$0x1e]  }
0xa9: {  	s0 =	rddreg [dreg:$0x1d];
	v3 =	vadd.s32 v1, v3  }
0xaa: {  	[tilespmem:s0], [sflag:$0x3] =	stream.indirect_vreg.gather [hbm4b:s4+s2], $0x80, v4, vm0, $0xb8;
	[tilespmem:$0x18100] =	vst v63  }
0xab: {  	s0 =	rddreg [dreg:$0x1f]  }
0xac: {  	[tilespmem:s3], [sflag:$0x3] =	stream.indirect_vreg.gather [hbm4b:s5+s2], $0x80, v4, vm1, $0xb8;
	[tilespmem:$0x18100] =	vst v63  }
0xad: {  	s3 =	sld [smem:$0x7DA]  }
0xae: {  	[tilespmem:s0], [sflag:$0x3] =	stream.indirect_vreg.gather [hbm4b:s4+s2], $0x80, v3, vm0, $0xb8;
	[tilespmem:$0x18100] =	vst v63  }
0xaf: {  	_ = 	snop  }
0xb0: {  	[tilespmem:s3], [sflag:$0x3] =	stream.indirect_vreg.gather [hbm4b:s5+s2], $0x80, v3, vm1, $0xb8;
	[tilespmem:$0x18100] =	vst v63  }
0xb1: {  	v3 =	vld [tilespmem:$0x60];
	_ =	sdelay $0x4  }
0xb2: {  	v54 =	vshrl.u32 v3, $0x3  }
0xb3: {  	v4 =	vmul.u32 $0x18, v54  }
0xb4: {  	v3 =	vand.u32 $0x7, v3  }
0xb5: {  	v3 =	vor.u32 v3, v4  }
0xb6: {  	v4 =	vperm.xlane v3, v0;
	_ =	sdelay $0x1  }
0xb7: {  	v4 =	vadd.s32 v1, v4;
	_ =	sdelay $0x1  }
0xb8: {  	v3 =	vperm.xlane v3, v2;
	_ =	sdelay $0x1  }
0xb9: {  	s0 =	sld [smem:$0x7DB];
	v3 =	vadd.s32 v1, v3  }
0xba: {  	[tilespmem:s11], [sflag:$0x4] =	stream.indirect_vreg.gather [hbm4b:s4+s2], $0x80, v4, vm0, $0xb8;
	[tilespmem:$0x18100] =	vst v63  }
0xbb: {  	s3 =	sld [smem:$0x7DC]  }
0xbc: {  	[tilespmem:s0], [sflag:$0x4] =	stream.indirect_vreg.gather [hbm4b:s5+s2], $0x80, v4, vm1, $0xb8;
	[tilespmem:$0x18100] =	vst v63  }
0xbd: {  	s0 =	sld [smem:$0x7DD]  }
0xbe: {  	[tilespmem:s3], [sflag:$0x4] =	stream.indirect_vreg.gather [hbm4b:s4+s2], $0x80, v3, vm0, $0xb8;
	[tilespmem:$0x18100] =	vst v63  }
0xbf: {  	_ = 	snop  }
0xc0: {  	[tilespmem:s0], [sflag:$0x4] =	stream.indirect_vreg.gather [hbm4b:s5+s2], $0x80, v3, vm1, $0xb8;
	[tilespmem:$0x18100] =	vst v63  }
0xc1: {  	v3 =	vld [tilespmem:$0x70];
	_ =	sdelay $0x4  }
0xc2: {  	v55 =	vshrl.u32 v3, $0x3  }
0xc3: {  	v4 =	vmul.u32 $0x18, v55  }
0xc4: {  	v3 =	vand.u32 $0x7, v3  }
0xc5: {  	v3 =	vor.u32 v3, v4  }
0xc6: {  	v4 =	vperm.xlane v3, v0;
	_ =	sdelay $0x1  }
0xc7: {  	v4 =	vadd.s32 v1, v4;
	_ =	sdelay $0x1  }
0xc8: {  	s0 =	sld [smem:$0x7DE];
	v3 =	vperm.xlane v3, v2;
	_ =	sdelay $0x1  }
0xc9: {  	s3 =	sld [smem:$0x7DF];
	v3 =	vadd.s32 v1, v3  }
0xca: {  	[tilespmem:s0], [sflag:$0x4] =	stream.indirect_vreg.gather [hbm4b:s4+s2], $0x80, v4, vm0, $0xb8;
	[tilespmem:$0x18100] =	vst v63  }
0xcb: {  	s0 =	sld [smem:$0x7E0]  }
0xcc: {  	[tilespmem:s3], [sflag:$0x4] =	stream.indirect_vreg.gather [hbm4b:s5+s2], $0x80, v4, vm1, $0xb8;
	[tilespmem:$0x18100] =	vst v63  }
0xcd: {  	s3 =	sld [smem:$0x7E1]  }
0xce: {  	[tilespmem:s0], [sflag:$0x4] =	stream.indirect_vreg.gather [hbm4b:s4+s2], $0x80, v3, vm0, $0xb8;
	[tilespmem:$0x18100] =	vst v63  }
0xcf: {  	_ = 	snop  }
0xd0: {  	[tilespmem:s3], [sflag:$0x4] =	stream.indirect_vreg.gather [hbm4b:s5+s2], $0x80, v3, vm1, $0xb8;
	[tilespmem:$0x18100] =	vst v63  }
0xd1: {  	v3 =	vld [tilespmem:$0x80];
	_ =	sdelay $0x4  }
0xd2: {  	v56 =	vshrl.u32 v3, $0x3  }
0xd3: {  	v4 =	vmul.u32 $0x18, v56  }
0xd4: {  	v3 =	vand.u32 $0x7, v3  }
0xd5: {  	v3 =	vor.u32 v3, v4  }
0xd6: {  	v4 =	vperm.xlane v3, v0;
	_ =	sdelay $0x1  }
0xd7: {  	v4 =	vadd.s32 v1, v4;
	_ =	sdelay $0x1  }
0xd8: {  	v3 =	vperm.xlane v3, v2;
	_ =	sdelay $0x1  }
0xd9: {  	s0 =	sld [smem:$0x7E2];
	v3 =	vadd.s32 v1, v3  }
0xda: {  	[tilespmem:s12], [sflag:$0x5] =	stream.indirect_vreg.gather [hbm4b:s4+s2], $0x80, v4, vm0, $0xb8;
	[tilespmem:$0x18100] =	vst v63  }
0xdb: {  	s3 =	sld [smem:$0x7E3]  }
0xdc: {  	[tilespmem:s0], [sflag:$0x5] =	stream.indirect_vreg.gather [hbm4b:s5+s2], $0x80, v4, vm1, $0xb8;
	[tilespmem:$0x18100] =	vst v63  }
0xdd: {  	s0 =	sld [smem:$0x7E4]  }
0xde: {  	[tilespmem:s3], [sflag:$0x5] =	stream.indirect_vreg.gather [hbm4b:s4+s2], $0x80, v3, vm0, $0xb8;
	[tilespmem:$0x18100] =	vst v63  }
0xdf: {  	_ = 	snop  }
0xe0: {  	[tilespmem:s0], [sflag:$0x5] =	stream.indirect_vreg.gather [hbm4b:s5+s2], $0x80, v3, vm1, $0xb8;
	[tilespmem:$0x18100] =	vst v63  }
0xe1: {  	v3 =	vld [tilespmem:$0x90];
	_ =	sdelay $0x4  }
0xe2: {  	v57 =	vshrl.u32 v3, $0x3  }
0xe3: {  	v4 =	vmul.u32 $0x18, v57  }
0xe4: {  	v3 =	vand.u32 $0x7, v3  }
0xe5: {  	v3 =	vor.u32 v3, v4  }
0xe6: {  	v4 =	vperm.xlane v3, v0;
	_ =	sdelay $0x1  }
0xe7: {  	v4 =	vadd.s32 v1, v4;
	_ =	sdelay $0x1  }
0xe8: {  	s0 =	sld [smem:$0x7E5];
	v3 =	vperm.xlane v3, v2;
	_ =	sdelay $0x1  }
0xe9: {  	s3 =	sld [smem:$0x7E6];
	v3 =	vadd.s32 v1, v3  }
0xea: {  	[tilespmem:s0], [sflag:$0x5] =	stream.indirect_vreg.gather [hbm4b:s4+s2], $0x80, v4, vm0, $0xb8;
	[tilespmem:$0x18100] =	vst v63  }
0xeb: {  	s0 =	sld [smem:$0x7E7]  }
0xec: {  	[tilespmem:s3], [sflag:$0x5] =	stream.indirect_vreg.gather [hbm4b:s5+s2], $0x80, v4, vm1, $0xb8;
	[tilespmem:$0x18100] =	vst v63  }
0xed: {  	s3 =	sld [smem:$0x7E8]  }
0xee: {  	[tilespmem:s0], [sflag:$0x5] =	stream.indirect_vreg.gather [hbm4b:s4+s2], $0x80, v3, vm0, $0xb8;
	[tilespmem:$0x18100] =	vst v63  }
0xef: {  	_ = 	snop  }
0xf0: {  	[tilespmem:s3], [sflag:$0x5] =	stream.indirect_vreg.gather [hbm4b:s5+s2], $0x80, v3, vm1, $0xb8;
	[tilespmem:$0x18100] =	vst v63  }
0xf1: {  	v3 =	vld [tilespmem:$0xA0];
	_ =	sdelay $0x4  }
0xf2: {  	v58 =	vshrl.u32 v3, $0x3  }
0xf3: {  	v4 =	vmul.u32 $0x18, v58  }
0xf4: {  	v3 =	vand.u32 $0x7, v3  }
0xf5: {  	v3 =	vor.u32 v3, v4  }
0xf6: {  	v4 =	vperm.xlane v3, v0;
	_ =	sdelay $0x1  }
0xf7: {  	v4 =	vadd.s32 v1, v4;
	_ =	sdelay $0x1  }
0xf8: {  	v3 =	vperm.xlane v3, v2;
	_ =	sdelay $0x1  }
0xf9: {  	s0 =	sld [smem:$0x7E9];
	v3 =	vadd.s32 v1, v3  }
0xfa: {  	[tilespmem:s13], [sflag:$0x6] =	stream.indirect_vreg.gather [hbm4b:s4+s2], $0x80, v4, vm0, $0xb8;
	[tilespmem:$0x18100] =	vst v63  }
0xfb: {  	s3 =	sld [smem:$0x7EA]  }
0xfc: {  	[tilespmem:s0], [sflag:$0x6] =	stream.indirect_vreg.gather [hbm4b:s5+s2], $0x80, v4, vm1, $0xb8;
	[tilespmem:$0x18100] =	vst v63  }
0xfd: {  	s0 =	sld [smem:$0x7EB]  }
0xfe: {  	[tilespmem:s3], [sflag:$0x6] =	stream.indirect_vreg.gather [hbm4b:s4+s2], $0x80, v3, vm0, $0xb8;
	[tilespmem:$0x18100] =	vst v63  }
0xff: {  	_ = 	snop  }
0x100: {  	[tilespmem:s0], [sflag:$0x6] =	stream.indirect_vreg.gather [hbm4b:s5+s2], $0x80, v3, vm1, $0xb8;
	[tilespmem:$0x18100] =	vst v63  }
0x101: {  	v3 =	vld [tilespmem:$0xB0];
	_ =	sdelay $0x4  }
0x102: {  	v59 =	vshrl.u32 v3, $0x3  }
0x103: {  	v4 =	vmul.u32 $0x18, v59  }
0x104: {  	v3 =	vand.u32 $0x7, v3  }
0x105: {  	v3 =	vor.u32 v3, v4  }
0x106: {  	v4 =	vperm.xlane v3, v0;
	_ =	sdelay $0x1  }
0x107: {  	v4 =	vadd.s32 v1, v4;
	_ =	sdelay $0x1  }
0x108: {  	s0 =	sld [smem:$0x7EC];
	v3 =	vperm.xlane v3, v2;
	_ =	sdelay $0x1  }
0x109: {  	s3 =	sld [smem:$0x7ED];
	v3 =	vadd.s32 v1, v3  }
0x10a: {  	[tilespmem:s0], [sflag:$0x6] =	stream.indirect_vreg.gather [hbm4b:s4+s2], $0x80, v4, vm0, $0xb8;
	[tilespmem:$0x18100] =	vst v63  }
0x10b: {  	s0 =	sld [smem:$0x7EE]  }
0x10c: {  	[tilespmem:s3], [sflag:$0x6] =	stream.indirect_vreg.gather [hbm4b:s5+s2], $0x80, v4, vm1, $0xb8;
	[tilespmem:$0x18100] =	vst v63  }
0x10d: {  	s3 =	sld [smem:$0x7EF]  }
0x10e: {  	[tilespmem:s0], [sflag:$0x6] =	stream.indirect_vreg.gather [hbm4b:s4+s2], $0x80, v3, vm0, $0xb8;
	[tilespmem:$0x18100] =	vst v63  }
0x10f: {  	_ = 	snop  }
0x110: {  	[tilespmem:s3], [sflag:$0x6] =	stream.indirect_vreg.gather [hbm4b:s5+s2], $0x80, v3, vm1, $0xb8;
	[tilespmem:$0x18100] =	vst v63  }
0x111: {  	v3 =	vld [tilespmem:$0xC0];
	_ =	sdelay $0x4  }
0x112: {  	v60 =	vshrl.u32 v3, $0x3  }
0x113: {  	v4 =	vmul.u32 $0x18, v60  }
0x114: {  	v3 =	vand.u32 $0x7, v3  }
0x115: {  	v3 =	vor.u32 v3, v4  }
0x116: {  	v4 =	vperm.xlane v3, v0;
	_ =	sdelay $0x1  }
0x117: {  	v4 =	vadd.s32 v1, v4;
	_ =	sdelay $0x1  }
0x118: {  	v3 =	vperm.xlane v3, v2;
	_ =	sdelay $0x1  }
0x119: {  	s0 =	sld [smem:$0x7F0];
	v3 =	vadd.s32 v1, v3  }
0x11a: {  	[tilespmem:s14], [sflag:$0x7] =	stream.indirect_vreg.gather [hbm4b:s4+s2], $0x80, v4, vm0, $0xb8;
	[tilespmem:$0x18100] =	vst v63  }
0x11b: {  	s3 =	sld [smem:$0x7F1]  }
0x11c: {  	[tilespmem:s0], [sflag:$0x7] =	stream.indirect_vreg.gather [hbm4b:s5+s2], $0x80, v4, vm1, $0xb8;
	[tilespmem:$0x18100] =	vst v63  }
0x11d: {  	s0 =	sld [smem:$0x7F2]  }
0x11e: {  	[tilespmem:s3], [sflag:$0x7] =	stream.indirect_vreg.gather [hbm4b:s4+s2], $0x80, v3, vm0, $0xb8;
	[tilespmem:$0x18100] =	vst v63  }
0x11f: {  	_ = 	snop  }
0x120: {  	[tilespmem:s0], [sflag:$0x7] =	stream.indirect_vreg.gather [hbm4b:s5+s2], $0x80, v3, vm1, $0xb8;
	[tilespmem:$0x18100] =	vst v63  }
0x121: {  	v3 =	vld [tilespmem:$0xD0];
	_ =	sdelay $0x4  }
0x122: {  	v61 =	vshrl.u32 v3, $0x3  }
0x123: {  	v4 =	vmul.u32 $0x18, v61  }
0x124: {  	v3 =	vand.u32 $0x7, v3  }
0x125: {  	v3 =	vor.u32 v3, v4  }
0x126: {  	v4 =	vperm.xlane v3, v0;
	_ =	sdelay $0x1  }
0x127: {  	v4 =	vadd.s32 v1, v4;
	_ =	sdelay $0x1  }
0x128: {  	s0 =	sld [smem:$0x7F3];
	v3 =	vperm.xlane v3, v2;
	_ =	sdelay $0x1  }
0x129: {  	s3 =	sld [smem:$0x7F4];
	v3 =	vadd.s32 v1, v3  }
0x12a: {  	[tilespmem:s0], [sflag:$0x7] =	stream.indirect_vreg.gather [hbm4b:s4+s2], $0x80, v4, vm0, $0xb8;
	[tilespmem:$0x18100] =	vst v63  }
0x12b: {  	s0 =	sld [smem:$0x7F5]  }
0x12c: {  	[tilespmem:s3], [sflag:$0x7] =	stream.indirect_vreg.gather [hbm4b:s5+s2], $0x80, v4, vm1, $0xb8;
	[tilespmem:$0x18100] =	vst v63  }
0x12d: {  	s3 =	sld [smem:$0x7F6]  }
0x12e: {  	[tilespmem:s0], [sflag:$0x7] =	stream.indirect_vreg.gather [hbm4b:s4+s2], $0x80, v3, vm0, $0xb8;
	[tilespmem:$0x18100] =	vst v63  }
0x12f: {  	_ = 	snop  }
0x130: {  	[tilespmem:s3], [sflag:$0x7] =	stream.indirect_vreg.gather [hbm4b:s5+s2], $0x80, v3, vm1, $0xb8;
	[tilespmem:$0x18100] =	vst v63  }
0x131: {  	v3 =	vld [tilespmem:$0xE0];
	_ =	sdelay $0x4  }
0x132: {  	v62 =	vshrl.u32 v3, $0x3  }
0x133: {  	v4 =	vmul.u32 $0x18, v62  }
0x134: {  	v3 =	vand.u32 $0x7, v3  }
0x135: {  	v3 =	vor.u32 v3, v4  }
0x136: {  	v4 =	vperm.xlane v3, v0;
	_ =	sdelay $0x1  }
0x137: {  	v4 =	vadd.s32 v1, v4;
	_ =	sdelay $0x1  }
0x138: {  	v3 =	vperm.xlane v3, v2;
	_ =	sdelay $0x1  }
0x139: {  	s0 =	sld [smem:$0x7F7];
	v3 =	vadd.s32 v1, v3  }
0x13a: {  	[tilespmem:s15], [sflag:$0x8] =	stream.indirect_vreg.gather [hbm4b:s4+s2], $0x80, v4, vm0, $0xb8;
	[tilespmem:$0x18100] =	vst v63  }
0x13b: {  	s3 =	sld [smem:$0x7F8]  }
0x13c: {  	[tilespmem:s0], [sflag:$0x8] =	stream.indirect_vreg.gather [hbm4b:s5+s2], $0x80, v4, vm1, $0xb8;
	[tilespmem:$0x18100] =	vst v63  }
0x13d: {  	s0 =	sld [smem:$0x7F9]  }
0x13e: {  	[tilespmem:s3], [sflag:$0x8] =	stream.indirect_vreg.gather [hbm4b:s4+s2], $0x80, v3, vm0, $0xb8;
	[tilespmem:$0x18100] =	vst v63  }
0x13f: {  	_ = 	snop  }
0x140: {  	[tilespmem:s0], [sflag:$0x8] =	stream.indirect_vreg.gather [hbm4b:s5+s2], $0x80, v3, vm1, $0xb8;
	[tilespmem:$0x18100] =	vst v63  }
0x141: {  	v3 =	vld [tilespmem:$0xF0];
	_ =	sdelay $0x4  }
0x142: {  	v63 =	vshrl.u32 v3, $0x3  }
0x143: {  	v4 =	vmul.u32 $0x18, v63  }
0x144: {  	v3 =	vand.u32 $0x7, v3  }
0x145: {  	v3 =	vor.u32 v3, v4  }
0x146: {  	v4 =	vperm.xlane v3, v0;
	_ =	sdelay $0x1  }
0x147: {  	v4 =	vadd.s32 v1, v4;
	_ =	sdelay $0x1  }
0x148: {  	s0 =	sld [smem:$0x7FA];
	v3 =	vperm.xlane v3, v2;
	_ =	sdelay $0x1  }
0x149: {  	s3 =	sld [smem:$0x7FB];
	v3 =	vadd.s32 v1, v3  }
0x14a: {  	[tilespmem:s0], [sflag:$0x8] =	stream.indirect_vreg.gather [hbm4b:s4+s2], $0x80, v4, vm0, $0xb8;
	[tilespmem:$0x18100] =	vst v63  }
0x14b: {  	s0 =	sld [smem:$0x7FC]  }
0x14c: {  	[tilespmem:s3], [sflag:$0x8] =	stream.indirect_vreg.gather [hbm4b:s5+s2], $0x80, v4, vm1, $0xb8;
	[tilespmem:$0x18100] =	vst v63  }
0x14d: {  	s3 =	sld [smem:$0x7FD]  }
0x14e: {  	[tilespmem:s0], [sflag:$0x8] =	stream.indirect_vreg.gather [hbm4b:s4+s2], $0x80, v3, vm0, $0xb8;
	[tilespmem:$0x18100] =	vst v63  }
0x14f: {  	_ = 	snop  }
0x150: {  	[tilespmem:s3], [sflag:$0x8] =	stream.indirect_vreg.gather [hbm4b:s5+s2], $0x80, v3, vm1, $0xb8;
	[tilespmem:$0x18100] =	vst v63  }
0x151: {  	_ =	swait.ge [sflag:s16], $0x3000  }
0x152: {  	s3 =	sld [smem:$0x7D9]  }
0x153: {  	[sflag:s16] =	ssyncset.done $0x0  }
0x154: {  	[sflag:s16] =	ssyncadd.s32 $0xFFFFD000  }
0x155: {  	[hbm4b:s3+s2] =	stream.linear.scatter [tilespmem:s8], [sflag:$0x9], $0x3000, $0x38;
	[tilespmem:$0x18100] =	vst v63  }
0x156: {  	_ =	swait.ge [sflag:s17], $0x3000  }
0x157: {  	[sflag:s17] =	ssyncset.done $0x0  }
0x158: {  	s3 =	rddreg [dreg:$0x5];
	[sflag:s17] =	ssyncadd.s32 $0xFFFFD000  }
0x159: {  	[hbm4b:s3+s2] =	stream.linear.scatter [tilespmem:s9], [sflag:$0xA], $0x3000, $0x38;
	[tilespmem:$0x18100] =	vst v63  }
0x15a: {  	_ =	swait.ge [sflag:s18], $0x3000  }
0x15b: {  	[sflag:s18] =	ssyncset.done $0x0  }
0x15c: {  	s3 =	rddreg [dreg:$0x6];
	[sflag:s18] =	ssyncadd.s32 $0xFFFFD000  }
0x15d: {  	[hbm4b:s3+s2] =	stream.linear.scatter [tilespmem:s10], [sflag:$0xB], $0x3000, $0x38;
	[tilespmem:$0x18100] =	vst v63  }
0x15e: {  	_ =	swait.ge [sflag:s19], $0x3000  }
0x15f: {  	[sflag:s19] =	ssyncset.done $0x0  }
0x160: {  	s3 =	rddreg [dreg:$0x7];
	[sflag:s19] =	ssyncadd.s32 $0xFFFFD000  }
0x161: {  	[hbm4b:s3+s2] =	stream.linear.scatter [tilespmem:s11], [sflag:$0xC], $0x3000, $0x38;
	[tilespmem:$0x18100] =	vst v63  }
0x162: {  	_ =	swait.ge [sflag:s20], $0x3000  }
0x163: {  	[sflag:s20] =	ssyncset.done $0x0  }
0x164: {  	s3 =	rddreg [dreg:$0x8];
	[sflag:s20] =	ssyncadd.s32 $0xFFFFD000  }
0x165: {  	[hbm4b:s3+s2] =	stream.linear.scatter [tilespmem:s12], [sflag:$0xD], $0x3000, $0x38;
	[tilespmem:$0x18100] =	vst v63  }
0x166: {  	_ =	swait.ge [sflag:s21], $0x3000  }
0x167: {  	[sflag:s21] =	ssyncset.done $0x0  }
0x168: {  	s3 =	rddreg [dreg:$0x9];
	[sflag:s21] =	ssyncadd.s32 $0xFFFFD000  }
0x169: {  	[hbm4b:s3+s2] =	stream.linear.scatter [tilespmem:s13], [sflag:$0xE], $0x3000, $0x38;
	[tilespmem:$0x18100] =	vst v63  }
0x16a: {  	_ =	swait.ge [sflag:s22], $0x3000  }
0x16b: {  	[sflag:s22] =	ssyncset.done $0x0  }
0x16c: {  	s3 =	rddreg [dreg:$0xa];
	[sflag:s22] =	ssyncadd.s32 $0xFFFFD000  }
0x16d: {  	[hbm4b:s3+s2] =	stream.linear.scatter [tilespmem:s14], [sflag:$0xF], $0x3000, $0x38;
	[tilespmem:$0x18100] =	vst v63  }
0x16e: {  	_ =	swait.ge [sflag:s23], $0x3000  }
0x16f: {  	[sflag:s23] =	ssyncset.done $0x0  }
0x170: {  	s3 =	rddreg [dreg:$0xb];
	[sflag:s23] =	ssyncadd.s32 $0xFFFFD000  }
0x171: {  	[hbm4b:s3+s2] =	stream.linear.scatter [tilespmem:s15], [sflag:$0x10], $0x3000, $0x38;
	[tilespmem:$0x18100] =	vst v63  }
0x172: {  	_ =	swait.ge [sflag:s24], $0x3000  }
0x173: {  	[sflag:s24] =	ssyncset.done $0x0  }
0x174: {  	[sflag:s24] =	ssyncadd.s32 $0xFFFFD000  }
0x175: {  	_ =	swait.ge [sflag:s25], $0x3000  }
0x176: {  	[sflag:s25] =	ssyncset.done $0x0  }
0x177: {  	[sflag:s25] =	ssyncadd.s32 $0xFFFFD000  }
0x178: {  	_ =	swait.ge [sflag:s26], $0x3000  }
0x179: {  	[sflag:s26] =	ssyncset.done $0x0  }
0x17a: {  	[sflag:s26] =	ssyncadd.s32 $0xFFFFD000  }
0x17b: {  	_ =	swait.ge [sflag:s28], $0x3000  }
0x17c: {  	[sflag:s28] =	ssyncset.done $0x0  }
0x17d: {  	[sflag:s28] =	ssyncadd.s32 $0xFFFFD000  }
0x17e: {  	_ =	swait.ge [sflag:s29], $0x3000  }
0x17f: {  	[sflag:s29] =	ssyncset.done $0x0  }
0x180: {  	[sflag:s29] =	ssyncadd.s32 $0xFFFFD000  }
0x181: {  	_ =	swait.ge [sflag:s30], $0x3000  }
0x182: {  	[sflag:s30] =	ssyncset.done $0x0  }
0x183: {  	[sflag:s30] =	ssyncadd.s32 $0xFFFFD000  }
0x184: {  	p0 =	sne.s32 s6, $0x1;
	_ =	swait.ge [sflag:s31], $0x3000  }
.Ltmp0:
0x185: {  	[sflag:s31] =	ssyncset.done $0x0;
	(pc) =	sbr.rel @p0 .LBB2_1-.Ltmp0, $4  }
0x186: {  	[sflag:s31] =	ssyncadd.s32 $0xFFFFD000  }
0x187: {  	_ =	swait.ge [sflag:s1], $0x3000  }
0x188: {  	[sflag:s1] =	ssyncset.done $0x0  }
0x189: {  	s6 =	sadd.s32 $0xFFFFFFFF, s6;
	[sflag:s1] =	ssyncadd.s32 $0xFFFFD000  }
0x18a: {  	_ =	sfence.sel $0x180000  }
0x18b: {  	[bflag:$0x0] =	sbarrier.arrive $0xFFFF  }
0x18c: {  	_ =	strace $0x90000047  }
0x18d: {  	s0 =	stileid.u32;
	[bflag:$0x2] =	sbarrier.arrive $0xFFFF  }
0x18e: {  	p0 =	sne.s32 s0, $0x0;
	s0 =	rddreg [dreg:$0x3]  }
0x18f: {  	s0 =	sadd.s32 @!p0 $0x100000, s0  }
0x190: {  	[sflag:s0] =	ssyncadd.tile.s32 @!p0 $0x1;
	_ =	shalt  }
.Lfunc_end2:
_tile_overlayer_lowered:
.L_overlay_start_2:
0x191: {  	(tag) =	ssettag $0x2  }
0x192: {  	s0 =	rddreg [dreg:$0x0];
	s2 =	stileid.u32  }
0x193: {  	s1 =	rddreg [dreg:$0x1];
	p0 =	sne.s32 s2, $0x0  }
0x194: {  	s3 =	rddreg [dreg:$0x2];
	[bflag:$0x3] =	sbarrier.arrive $0xFFFF;
	s2 =	simm.s32 @!p0 $0x1C11  }
0x195: {  	[timem:s3], [sflag:s2] =	dma.local @!p0 [hbm:s0], s1  }
0x196: {  	s0 =	simm.s32 @!p0 $0x11  }
0x197: {  	_ =	swait.ge @!p0 [sflag:s0], s1  }
0x198: {  	s1 =	ssub.s32 @!p0 $0x0, s1;
	[sflag:s0] =	ssyncset.done @!p0 $0x0  }
0x199: {  	[sflag:s0] =	ssyncadd.s32 @!p0 s1  }
0x19a: {  	[bflag:$0x3] =	sbarrier.arrive $0xFFFF  }
0x19b: {  	_ =	shalt  }

</sc_bundles>
